<compile_context>
chip_gen: v7x
topology: tpu7x:2x2x1
jax: 0.10.2.dev20260603
libtpu: 0.0.44.dev20260713+nightly
codegen_flags: <defaults>
</compile_context>

<pallas_src>
import functools

import jax
import jax.numpy as jnp
from jax import lax
from jax.experimental import pallas as pl
from jax.experimental.pallas import tpu as pltpu
from jax.experimental.pallas import tpu_sc as plsc

N = 10000
E = 160000
NT = 16
CH = 128
NCH = 79
EPT = NCH * CH
EPAD = NT * EPT
NPAD = 10112
ZPT = NPAD // NT
DW = 128
NB = 1000

_MESH = plsc.VectorSubcoreMesh(core_axis_name="c", subcore_axis_name="s")



def _edge_pass(tbl, src_view, dst_view, sidx, didx, rows, sem, acc):
    pltpu.sync_copy(src_view, sidx)
    pltpu.sync_copy(dst_view, didx)

    def body(j, carry):
        pltpu.async_copy(tbl.at[sidx.at[j]], rows, sem).wait()
        pltpu.sync_copy(rows, acc.at[didx.at[j]], add=True)
        return carry

    lax.fori_loop(0, NCH, body, 0)


@functools.partial(
    pl.kernel,
    out_type=jax.ShapeDtypeStruct((2, NT, ZPT, DW), jnp.float32),
    mesh=_MESH,
    scratch_types=[
        pltpu.VMEM((NCH, CH), jnp.int32),
        pltpu.VMEM((CH, DW), jnp.float32),
        pltpu.VMEM_SHARED((NPAD, DW), jnp.float32),
    ],
)
def _deg_sc(dst_hbm, ones_hbm, zpage_hbm, out_hbm, didx, ones_v, acc):
    c = lax.axis_index("c")
    s = lax.axis_index("s")
    pltpu.sync_copy(ones_hbm, ones_v)
    pltpu.sync_copy(zpage_hbm.at[pl.ds(s * ZPT, ZPT)],
                    acc.at[pl.ds(s * ZPT, ZPT)])
    plsc.subcore_barrier()
    pltpu.sync_copy(dst_hbm.at[c, s], didx)

    def body(j, carry):
        pltpu.sync_copy(ones_v, acc.at[didx.at[j]], add=True)
        return carry

    lax.fori_loop(0, NCH, body, 0)
    plsc.subcore_barrier()
    pltpu.sync_copy(acc.at[pl.ds(s * ZPT, ZPT)], out_hbm.at[c, s])


@functools.partial(
    pl.kernel,
    out_type=jax.ShapeDtypeStruct((2, 2, NPAD, 128), jnp.float32),
    mesh=_MESH,
    scratch_types=[
        pltpu.VMEM((NCH, CH), jnp.int32),
        pltpu.VMEM((NCH, CH), jnp.int32),
        pltpu.VMEM((CH, 128), jnp.float32),
        pltpu.VMEM_SHARED((NPAD, 128), jnp.float32),
        pltpu.SemaphoreType.DMA,
    ],
)
def _spmm1_sc(t0_hbm, t1_hbm, src0_hbm, src1_hbm, dst0_hbm, dst1_hbm,
              zpage_hbm, out_hbm, sidx, didx, rows, acc, sem):
    c = lax.axis_index("c")
    s = lax.axis_index("s")
    for e, (tbl, src_hbm, dst_hbm) in enumerate(
        ((t0_hbm, src0_hbm, dst0_hbm), (t1_hbm, src1_hbm, dst1_hbm))):
        pltpu.sync_copy(zpage_hbm.at[pl.ds(s * ZPT, ZPT)],
                        acc.at[pl.ds(s * ZPT, ZPT)])
        plsc.subcore_barrier()
        _edge_pass(tbl, src_hbm.at[c, s], dst_hbm.at[s],
                   sidx, didx, rows, sem, acc)
        plsc.subcore_barrier()
        pltpu.sync_copy(acc.at[pl.ds(s * ZPT, ZPT)],
                        out_hbm.at[e, c, pl.ds(s * ZPT, ZPT)])
        plsc.subcore_barrier()


@functools.partial(
    pl.kernel,
    out_type=jax.ShapeDtypeStruct((2, NPAD, 128), jnp.float32),
    mesh=_MESH,
    scratch_types=[
        pltpu.VMEM((NCH, CH), jnp.int32),
        pltpu.VMEM((NCH, CH), jnp.int32),
        pltpu.VMEM((CH, 128), jnp.float32),
        pltpu.VMEM_SHARED((NPAD, 128), jnp.float32),
        pltpu.SemaphoreType.DMA,
    ],
)
def _spmm2_sc(tbl_hbm, src_hbm, dst_hbm, zpage_hbm, out_hbm,
              sidx, didx, rows, acc, sem):
    c = lax.axis_index("c")
    s = lax.axis_index("s")
    pltpu.sync_copy(zpage_hbm.at[pl.ds(s * ZPT, ZPT)],
                    acc.at[pl.ds(s * ZPT, ZPT)])
    plsc.subcore_barrier()
    _edge_pass(tbl_hbm, src_hbm.at[c, s], dst_hbm.at[c, s],
               sidx, didx, rows, sem, acc)
    plsc.subcore_barrier()
    pltpu.sync_copy(acc.at[pl.ds(s * ZPT, ZPT)],
                    out_hbm.at[c, pl.ds(s * ZPT, ZPT)])



def _mm1_body(x_ref, w_ref, deg_ref, o0_ref, o1_ref):
    g = jnp.dot(x_ref[...], w_ref[...], preferred_element_type=jnp.float32)
    dinv = lax.rsqrt(deg_ref[...] + 1.0)
    d0 = dinv[:, 0:1]
    d1 = dinv[:, 1:2]
    o0_ref[0] = g[:, 0:128] * d0
    o0_ref[1] = g[:, 128:256] * d0
    o1_ref[0] = g[:, 256:384] * d1
    o1_ref[1] = g[:, 384:512] * d1


def _mid_body(agg_ref, t0_ref, t1_ref, deg_ref, w2_ref, b1_ref, o_ref):
    dinv = lax.rsqrt(deg_ref[...] + 1.0)
    for e, t_ref in ((0, t0_ref), (1, t1_ref)):
        d = dinv[:, e:e + 1]
        h_lo = jax.nn.relu(d * (agg_ref[e, 0] + t_ref[0]) + b1_ref[e, 0:128])
        h_hi = jax.nn.relu(d * (agg_ref[e, 1] + t_ref[1]) + b1_ref[e, 128:256])
        w_e = w2_ref[:, e * 128:(e + 1) * 128]
        z = (jnp.dot(h_lo, w_e[0:128, :], preferred_element_type=jnp.float32)
             + jnp.dot(h_hi, w_e[128:256, :], preferred_element_type=jnp.float32))
        o_ref[e] = z * d


def _fin_body(agg_ref, t2_ref, deg_ref, b2_ref, z_ref):
    dinv = lax.rsqrt(deg_ref[...] + 1.0)
    z_ref[:, 0:128] = dinv[:, 0:1] * (agg_ref[0] + t2_ref[0]) + b2_ref[0]
    z_ref[:, 128:256] = dinv[:, 1:2] * (agg_ref[1] + t2_ref[1]) + b2_ref[1]


_GRID = (N // NB,)

_mm1_tc = pl.pallas_call(
    _mm1_body,
    grid=_GRID,
    in_specs=[
        pl.BlockSpec((NB, 256), lambda i: (i, 0)),
        pl.BlockSpec((256, 512), lambda i: (0, 0)),
        pl.BlockSpec((NB, 2), lambda i: (i, 0)),
    ],
    out_specs=[
        pl.BlockSpec((2, NB, 128), lambda i: (0, i, 0)),
        pl.BlockSpec((2, NB, 128), lambda i: (0, i, 0)),
    ],
    out_shape=[
        jax.ShapeDtypeStruct((2, N, 128), jnp.float32),
        jax.ShapeDtypeStruct((2, N, 128), jnp.float32),
    ],
)

_mid_tc = pl.pallas_call(
    _mid_body,
    grid=_GRID,
    in_specs=[
        pl.BlockSpec((2, 2, NB, 128), lambda i: (0, 0, i, 0)),
        pl.BlockSpec((2, NB, 128), lambda i: (0, i, 0)),
        pl.BlockSpec((2, NB, 128), lambda i: (0, i, 0)),
        pl.BlockSpec((NB, 2), lambda i: (i, 0)),
        pl.BlockSpec((256, 256), lambda i: (0, 0)),
        pl.BlockSpec((2, 256), lambda i: (0, 0)),
    ],
    out_specs=pl.BlockSpec((2, NB, 128), lambda i: (0, i, 0)),
    out_shape=jax.ShapeDtypeStruct((2, N, 128), jnp.float32),
)

_fin_tc = pl.pallas_call(
    _fin_body,
    grid=_GRID,
    in_specs=[
        pl.BlockSpec((2, NB, 128), lambda i: (0, i, 0)),
        pl.BlockSpec((2, NB, 128), lambda i: (0, i, 0)),
        pl.BlockSpec((NB, 2), lambda i: (i, 0)),
        pl.BlockSpec((2, 128), lambda i: (0, 0)),
    ],
    out_specs=pl.BlockSpec((NB, 256), lambda i: (i, 0)),
    out_shape=jax.ShapeDtypeStruct((N, 256), jnp.float32),
)



def kernel(x, edge_index_1, edge_index_2,
           W11, b11, W12, b12, W21, b21, W22, b22):
    pad = EPAD - E
    izeros = jnp.zeros((pad,), jnp.int32)
    ipadn = jnp.full((pad,), N, jnp.int32)
    src1 = jnp.concatenate([edge_index_1[0], izeros])
    dst1 = jnp.concatenate([edge_index_1[1], ipadn])
    src2 = jnp.concatenate([edge_index_2[0], izeros])
    dst2 = jnp.concatenate([edge_index_2[1], ipadn])

    srcA1 = jnp.stack([src1, src1 + N]).reshape(2, NT, NCH, CH)
    srcA2 = jnp.stack([src2, src2 + N]).reshape(2, NT, NCH, CH)
    dstA1 = dst1.reshape(NT, NCH, CH)
    dstA2 = dst2.reshape(NT, NCH, CH)
    srcB = jnp.stack([src1, src2 + N]).reshape(2, NT, NCH, CH)
    dstB = jnp.stack([dst1, dst2]).reshape(2, NT, NCH, CH)

    w1cat = jnp.concatenate([W11, W21], axis=1)
    w2cat = jnp.concatenate([W12, W22], axis=1)
    b1cat = jnp.stack([b11, b21])
    b2cat = jnp.stack([b12, b22])

    zpage = jnp.zeros((NPAD, 128), jnp.float32)
    ones_col = jnp.ones((CH, DW), jnp.float32)

    deg = _deg_sc(dstB, ones_col, zpage)
    deg_t = deg.reshape(2, NPAD, DW)[:, :N, 0].T

    t1a, t1b = _mm1_tc(x, w1cat, deg_t)
    agg1 = _spmm1_sc(t1a.reshape(2 * N, 128), t1b.reshape(2 * N, 128),
                     srcA1, srcA2, dstA1, dstA2, zpage)
    t2 = _mid_tc(agg1, t1a, t1b, deg_t, w2cat, b1cat)
    agg2 = _spmm2_sc(t2.reshape(2 * N, 128), srcB, dstB, zpage)
    return _fin_tc(agg2, t2, deg_t, b2cat)

# --- scband reference (transcript-rebuilt; emitter-appended) ---
"""Pipeline reference for scband-dual-gae-72971494359296 (READ-ONLY COPY).

The authoritative reference and input builder live on the scoring server;
editing this copy changes nothing except your own understanding.
"""

import jax, jax.numpy as jnp
import numpy as np

N = 10000
E = 160000
D_IN = 256
D_OUT = 256
D_HALF = D_OUT // 2  # 128
H = 2 * D_HALF       # 256 hidden per encoder


def gcn_conv(x, edge_index, W, b, n_nodes):
    # GCNConv with default add_self_loops=True, symmetric normalization
    src = edge_index[0]
    dst = edge_index[1]
    loop = jnp.arange(n_nodes, dtype=src.dtype)
    src = jnp.concatenate([src, loop])
    dst = jnp.concatenate([dst, loop])
    h = x @ W
    deg = jnp.zeros((n_nodes,), dtype=h.dtype).at[dst].add(1.0)
    dinv = jnp.where(deg > 0, jax.lax.rsqrt(deg), 0.0)
    norm = dinv[src] * dinv[dst]
    msg = h[src] * norm[:, None]
    out = jnp.zeros((n_nodes, W.shape[1]), dtype=h.dtype).at[dst].add(msg)
    return out + b


def encoder(x, edge_index, W1, b1, W2, b2, n_nodes):
    h = jax.nn.relu(gcn_conv(x, edge_index, W1, b1, n_nodes))
    return gcn_conv(h, edge_index, W2, b2, n_nodes)


def setup_inputs(seed: int = 0) -> dict:
    key = jax.random.key(seed)
    ks = jax.random.split(key, 12)
    x = jax.random.normal(ks[0], (N, D_IN), dtype=jnp.float32)
    edge_index_1 = jax.random.randint(ks[1], (2, E), 0, N, dtype=jnp.int32)
    edge_index_2 = jax.random.randint(ks[2], (2, E), 0, N, dtype=jnp.int32)
    s = 0.05
    W11 = jax.random.normal(ks[3], (D_IN, H), dtype=jnp.float32) * s
    b11 = jnp.zeros((H,), dtype=jnp.float32)
    W12 = jax.random.normal(ks[4], (H, D_HALF), dtype=jnp.float32) * s
    b12 = jnp.zeros((D_HALF,), dtype=jnp.float32)
    W21 = jax.random.normal(ks[5], (D_IN, H), dtype=jnp.float32) * s
    b21 = jnp.zeros((H,), dtype=jnp.float32)
    W22 = jax.random.normal(ks[6], (H, D_HALF), dtype=jnp.float32) * s
    b22 = jnp.zeros((D_HALF,), dtype=jnp.float32)
    return {"x": x, "edge_index_1": edge_index_1, "edge_index_2": edge_index_2,
            "W11": W11, "b11": b11, "W12": W12, "b12": b12,
            "W21": W21, "b21": b21, "W22": W22, "b22": b22}


def reference(x, edge_index_1, edge_index_2, W11, b11, W12, b12, W21, b21, W22, b22):
    z1 = encoder(x, edge_index_1, W11, b11, W12, b12, N)
    z2 = encoder(x, edge_index_2, W21, b21, W22, b22, N)
    return jnp.concatenate([z1, z2], axis=1)

if __name__ == "__main__":
    import jax
    _d = setup_inputs()
    print(jax.jit(kernel)(*tuple(_d.values())))

</pallas_src>

<mosaic_0001>
#map = affine_map<(d0, d1) -> (0, 0, 0, 0)>
#map1 = affine_map<(d0, d1) -> (0, 0)>
module attributes {stable_mosaic.version = 14 : i64} {
  func.func @_deg_sc(%arg0: i32, %arg1: i32, %arg2: memref<2x16x79x128xi32, #tpu.memory_space<hbm>>, %arg3: memref<128x128xf32, #tpu.memory_space<hbm>>, %arg4: memref<10112x128xf32, #tpu.memory_space<hbm>>, %arg5: memref<2x16x632x128xf32, #tpu.memory_space<hbm>>, %arg6: memref<79x128xi32, #tpu.memory_space<vmem>>, %arg7: memref<128x128xf32, #tpu.memory_space<vmem>>, %arg8: memref<10112x128xf32, #tpu.memory_space<vmem_shared>>) attributes {dimension_semantics = [#tpu.dimension_semantics<core_parallel>, #tpu.dimension_semantics<subcore_parallel>], iteration_bounds = array<i64: 2, 16>, scalar_prefetch = 0 : i64, scratch_operands = 3 : i64, tpu.core_type = #tpu.core_type<sc_vector_subcore>, window_params = [{transform_indices = #map}, {transform_indices = #map1}, {transform_indices = #map1}, {transform_indices = #map}]} {
    "tpu.region"() ({
      %run_scoped3A = tpu.sem_alloc : memref<!tpu.dma_semaphore, #tpu.memory_space<semaphore_mem>>
      tpu.enqueue_dma source(%arg3 : memref<128x128xf32, #tpu.memory_space<hbm>>) target(%arg7 : memref<128x128xf32, #tpu.memory_space<vmem>>) target_semaphore(%run_scoped3A : memref<!tpu.dma_semaphore, #tpu.memory_space<semaphore_mem>>)
      tpu.wait_dma2 semaphore(%run_scoped3A : memref<!tpu.dma_semaphore, #tpu.memory_space<semaphore_mem>>) src(%arg3 : memref<128x128xf32, #tpu.memory_space<hbm>>) dst(%arg7 : memref<128x128xf32, #tpu.memory_space<vmem>>)
      tpu.yield
    }) : () -> ()
    %mul3A = arith.constant 632 : i32
    %mul3A_0 = arith.muli %arg1, %mul3A : i32
    %mul3A_1 = arith.constant 632 : i32
    %mul3A_2 = arith.muli %arg1, %mul3A_1 : i32
    "tpu.region"() ({
      %run_scoped3A = tpu.sem_alloc : memref<!tpu.dma_semaphore, #tpu.memory_space<semaphore_mem>>
      %dma_start3A = arith.constant 0 : i32
      %dma_start3A_11 = tpu.memref_slice %arg8[%mul3A_2, %dma_start3A] : memref<10112x128xf32, #tpu.memory_space<vmem_shared>> -> memref<632x128xf32, #tpu.memory_space<vmem_shared>>
      %dma_start3A_12 = arith.constant 0 : i32
      %dma_start3A_13 = tpu.memref_slice %arg4[%mul3A_0, %dma_start3A_12] : memref<10112x128xf32, #tpu.memory_space<hbm>> -> memref<632x128xf32, #tpu.memory_space<hbm>>
      tpu.enqueue_dma source(%dma_start3A_13 : memref<632x128xf32, #tpu.memory_space<hbm>>) target(%dma_start3A_11 : memref<632x128xf32, #tpu.memory_space<vmem_shared>>) target_semaphore(%run_scoped3A : memref<!tpu.dma_semaphore, #tpu.memory_space<semaphore_mem>>)
      %dma_wait3A = arith.constant 0 : i32
      %dma_wait3A_14 = tpu.memref_slice %arg8[%mul3A_2, %dma_wait3A] : memref<10112x128xf32, #tpu.memory_space<vmem_shared>> -> memref<632x128xf32, #tpu.memory_space<vmem_shared>>
      %dma_wait3A_15 = arith.constant 0 : i32
      %dma_wait3A_16 = tpu.memref_slice %arg4[%mul3A_0, %dma_wait3A_15] : memref<10112x128xf32, #tpu.memory_space<hbm>> -> memref<632x128xf32, #tpu.memory_space<hbm>>
      tpu.wait_dma2 semaphore(%run_scoped3A : memref<!tpu.dma_semaphore, #tpu.memory_space<semaphore_mem>>) src(%dma_wait3A_16 : memref<632x128xf32, #tpu.memory_space<hbm>>) dst(%dma_wait3A_14 : memref<632x128xf32, #tpu.memory_space<vmem_shared>>)
      tpu.yield
    }) : () -> ()
    %barrier3A = arith.constant 0 : index
    tpu.barrier barrier_id(%barrier3A)
    "tpu.region"() ({
      %run_scoped3A = tpu.sem_alloc : memref<!tpu.dma_semaphore, #tpu.memory_space<semaphore_mem>>
      %dma_start3A = arith.constant 0 : i32
      %dma_start3A_11 = arith.constant 0 : i32
      %dma_start3A_12 = tpu.memref_slice %arg2[%arg0, %arg1, %dma_start3A, %dma_start3A_11] : memref<2x16x79x128xi32, #tpu.memory_space<hbm>> -> memref<1x1x79x128xi32, #tpu.memory_space<hbm>>
      %dma_start3A_13 = tpu.memref_squeeze %dma_start3A_12 : memref<1x1x79x128xi32, #tpu.memory_space<hbm>> -> memref<79x128xi32, #tpu.memory_space<hbm>>
      %dma_start3A_14 = arith.constant 0 : i32
      %dma_start3A_15 = arith.constant 0 : i32
      %dma_start3A_16 = tpu.memref_slice %arg2[%arg0, %arg1, %dma_start3A_14, %dma_start3A_15] : memref<2x16x79x128xi32, #tpu.memory_space<hbm>> -> memref<1x1x79x128xi32, #tpu.memory_space<hbm>>
      %dma_start3A_17 = tpu.memref_squeeze %dma_start3A_16 : memref<1x1x79x128xi32, #tpu.memory_space<hbm>> -> memref<79x128xi32, #tpu.memory_space<hbm>>
      tpu.enqueue_dma source(%dma_start3A_17 : memref<79x128xi32, #tpu.memory_space<hbm>>) target(%arg6 : memref<79x128xi32, #tpu.memory_space<vmem>>) target_semaphore(%run_scoped3A : memref<!tpu.dma_semaphore, #tpu.memory_space<semaphore_mem>>)
      %dma_wait3A = arith.constant 0 : i32
      %dma_wait3A_18 = arith.constant 0 : i32
      %dma_wait3A_19 = tpu.memref_slice %arg2[%arg0, %arg1, %dma_wait3A, %dma_wait3A_18] : memref<2x16x79x128xi32, #tpu.memory_space<hbm>> -> memref<1x1x79x128xi32, #tpu.memory_space<hbm>>
      %dma_wait3A_20 = tpu.memref_squeeze %dma_wait3A_19 : memref<1x1x79x128xi32, #tpu.memory_space<hbm>> -> memref<79x128xi32, #tpu.memory_space<hbm>>
      %dma_wait3A_21 = arith.constant 0 : i32
      %dma_wait3A_22 = arith.constant 0 : i32
      %dma_wait3A_23 = tpu.memref_slice %arg2[%arg0, %arg1, %dma_wait3A_21, %dma_wait3A_22] : memref<2x16x79x128xi32, #tpu.memory_space<hbm>> -> memref<1x1x79x128xi32, #tpu.memory_space<hbm>>
      %dma_wait3A_24 = tpu.memref_squeeze %dma_wait3A_23 : memref<1x1x79x128xi32, #tpu.memory_space<hbm>> -> memref<79x128xi32, #tpu.memory_space<hbm>>
      tpu.wait_dma2 semaphore(%run_scoped3A : memref<!tpu.dma_semaphore, #tpu.memory_space<semaphore_mem>>) src(%dma_wait3A_24 : memref<79x128xi32, #tpu.memory_space<hbm>>) dst(%arg6 : memref<79x128xi32, #tpu.memory_space<vmem>>)
      tpu.yield
    }) : () -> ()
    %scan3A = arith.constant 0 : i32
    %scan3A_3 = arith.constant 0 : i32
    %scan3A_4 = arith.constant 79 : i32
    %scan3A_5 = arith.addi %scan3A_3, %scan3A_4 : i32
    %scan3A_6 = arith.constant 1 : i32
    scf.for %scan3A_11 = %scan3A_3 to %scan3A_5 step %scan3A_6  : i32 {
      "tpu.region"() ({
        %run_scoped3A = tpu.sem_alloc : memref<!tpu.dma_semaphore, #tpu.memory_space<semaphore_mem>>
        %dma_start3A = arith.constant 0 : i32
        %dma_start3A_12 = tpu.memref_slice %arg6[%scan3A_11, %dma_start3A] : memref<79x128xi32, #tpu.memory_space<vmem>> -> memref<1x128xi32, #tpu.memory_space<vmem>>
        %dma_start3A_13 = tpu.memref_squeeze %dma_start3A_12 : memref<1x128xi32, #tpu.memory_space<vmem>> -> memref<128xi32, #tpu.memory_space<vmem>>
        %dma_start3A_14 = arith.constant 0 : i32
        %dma_start3A_15 = arith.constant 0 : i32
        %dma_start3A_16 = tpu.memref_slice %arg8[%dma_start3A_14, %dma_start3A_15] : memref<10112x128xf32, #tpu.memory_space<vmem_shared>> -> memref<10112x128xf32, #tpu.memory_space<vmem_shared>>
        tpu.enqueue_indirect_dma source(%arg7 : memref<128x128xf32, #tpu.memory_space<vmem>>) target(%dma_start3A_16 : memref<10112x128xf32, #tpu.memory_space<vmem_shared>>) offsets(%dma_start3A_13 : memref<128xi32, #tpu.memory_space<vmem>>) semaphore(%run_scoped3A : memref<!tpu.dma_semaphore, #tpu.memory_space<semaphore_mem>>) {add = true}
        %dma_wait3A = arith.constant 0 : i32
        %dma_wait3A_17 = tpu.memref_slice %arg6[%scan3A_11, %dma_wait3A] : memref<79x128xi32, #tpu.memory_space<vmem>> -> memref<1x128xi32, #tpu.memory_space<vmem>>
        %dma_wait3A_18 = tpu.memref_squeeze %dma_wait3A_17 : memref<1x128xi32, #tpu.memory_space<vmem>> -> memref<128xi32, #tpu.memory_space<vmem>>
        %dma_wait3A_19 = arith.constant 0 : i32
        %dma_wait3A_20 = arith.constant 0 : i32
        %dma_wait3A_21 = tpu.memref_slice %arg8[%dma_wait3A_19, %dma_wait3A_20] : memref<10112x128xf32, #tpu.memory_space<vmem_shared>> -> memref<10112x128xf32, #tpu.memory_space<vmem_shared>>
        tpu.wait_indirect_dma semaphore(%run_scoped3A : memref<!tpu.dma_semaphore, #tpu.memory_space<semaphore_mem>>) src(%arg7 : memref<128x128xf32, #tpu.memory_space<vmem>>) dst(%dma_wait3A_21 : memref<10112x128xf32, #tpu.memory_space<vmem_shared>>)
        tpu.yield
      }) : () -> ()
    }
    %scan3A_7 = arith.constant 79 : i32
    %barrier3A_8 = arith.constant 0 : index
    tpu.barrier barrier_id(%barrier3A_8)
    %mul3A_9 = arith.constant 632 : i32
    %mul3A_10 = arith.muli %arg1, %mul3A_9 : i32
    "tpu.region"() ({
      %run_scoped3A = tpu.sem_alloc : memref<!tpu.dma_semaphore, #tpu.memory_space<semaphore_mem>>
      %dma_start3A = arith.constant 0 : i32
      %dma_start3A_11 = arith.constant 0 : i32
      %dma_start3A_12 = tpu.memref_slice %arg5[%arg0, %arg1, %dma_start3A, %dma_start3A_11] : memref<2x16x632x128xf32, #tpu.memory_space<hbm>> -> memref<1x1x632x128xf32, #tpu.memory_space<hbm>>
      %dma_start3A_13 = tpu.memref_squeeze %dma_start3A_12 : memref<1x1x632x128xf32, #tpu.memory_space<hbm>> -> memref<632x128xf32, #tpu.memory_space<hbm>>
      %dma_start3A_14 = arith.constant 0 : i32
      %dma_start3A_15 = tpu.memref_slice %arg8[%mul3A_10, %dma_start3A_14] : memref<10112x128xf32, #tpu.memory_space<vmem_shared>> -> memref<632x128xf32, #tpu.memory_space<vmem_shared>>
      tpu.enqueue_dma source(%dma_start3A_15 : memref<632x128xf32, #tpu.memory_space<vmem_shared>>) target(%dma_start3A_13 : memref<632x128xf32, #tpu.memory_space<hbm>>) target_semaphore(%run_scoped3A : memref<!tpu.dma_semaphore, #tpu.memory_space<semaphore_mem>>)
      %dma_wait3A = arith.constant 0 : i32
      %dma_wait3A_16 = arith.constant 0 : i32
      %dma_wait3A_17 = tpu.memref_slice %arg5[%arg0, %arg1, %dma_wait3A, %dma_wait3A_16] : memref<2x16x632x128xf32, #tpu.memory_space<hbm>> -> memref<1x1x632x128xf32, #tpu.memory_space<hbm>>
      %dma_wait3A_18 = tpu.memref_squeeze %dma_wait3A_17 : memref<1x1x632x128xf32, #tpu.memory_space<hbm>> -> memref<632x128xf32, #tpu.memory_space<hbm>>
      %dma_wait3A_19 = arith.constant 0 : i32
      %dma_wait3A_20 = tpu.memref_slice %arg8[%mul3A_10, %dma_wait3A_19] : memref<10112x128xf32, #tpu.memory_space<vmem_shared>> -> memref<632x128xf32, #tpu.memory_space<vmem_shared>>
      tpu.wait_dma2 semaphore(%run_scoped3A : memref<!tpu.dma_semaphore, #tpu.memory_space<semaphore_mem>>) src(%dma_wait3A_20 : memref<632x128xf32, #tpu.memory_space<vmem_shared>>) dst(%dma_wait3A_18 : memref<632x128xf32, #tpu.memory_space<hbm>>)
      tpu.yield
    }) : () -> ()
    return
  }
}

#map = affine_map<(d0, d1) -> (0, 0)>
#map1 = affine_map<(d0, d1) -> (0, 0, 0, 0)>
#map2 = affine_map<(d0, d1) -> (0, 0, 0)>
module attributes {stable_mosaic.version = 14 : i64} {
  func.func @_spmm1_sc(%arg0: i32, %arg1: i32, %arg2: memref<20000x128xf32, #tpu.memory_space<hbm>>, %arg3: memref<20000x128xf32, #tpu.memory_space<hbm>>, %arg4: memref<2x16x79x128xi32, #tpu.memory_space<hbm>>, %arg5: memref<2x16x79x128xi32, #tpu.memory_space<hbm>>, %arg6: memref<16x79x128xi32, #tpu.memory_space<hbm>>, %arg7: memref<16x79x128xi32, #tpu.memory_space<hbm>>, %arg8: memref<10112x128xf32, #tpu.memory_space<hbm>>, %arg9: memref<2x2x10112x128xf32, #tpu.memory_space<hbm>>, %arg10: memref<79x128xi32, #tpu.memory_space<vmem>>, %arg11: memref<79x128xi32, #tpu.memory_space<vmem>>, %arg12: memref<128x128xf32, #tpu.memory_space<vmem>>, %arg13: memref<10112x128xf32, #tpu.memory_space<vmem_shared>>, %arg14: memref<!tpu.dma_semaphore, #tpu.memory_space<semaphore_mem>>) attributes {dimension_semantics = [#tpu.dimension_semantics<core_parallel>, #tpu.dimension_semantics<subcore_parallel>], iteration_bounds = array<i64: 2, 16>, scalar_prefetch = 0 : i64, scratch_operands = 5 : i64, tpu.core_type = #tpu.core_type<sc_vector_subcore>, window_params = [{transform_indices = #map}, {transform_indices = #map}, {transform_indices = #map1}, {transform_indices = #map1}, {transform_indices = #map2}, {transform_indices = #map2}, {transform_indices = #map}, {transform_indices = #map1}]} {
    %mul3A = arith.constant 632 : i32
    %mul3A_0 = arith.muli %arg1, %mul3A : i32
    %mul3A_1 = arith.constant 632 : i32
    %mul3A_2 = arith.muli %arg1, %mul3A_1 : i32
    "tpu.region"() ({
      %run_scoped3A_32 = tpu.sem_alloc : memref<!tpu.dma_semaphore, #tpu.memory_space<semaphore_mem>>
      %dma_start3A = arith.constant 0 : i32
      %dma_start3A_33 = tpu.memref_slice %arg13[%mul3A_2, %dma_start3A] : memref<10112x128xf32, #tpu.memory_space<vmem_shared>> -> memref<632x128xf32, #tpu.memory_space<vmem_shared>>
      %dma_start3A_34 = arith.constant 0 : i32
      %dma_start3A_35 = tpu.memref_slice %arg8[%mul3A_0, %dma_start3A_34] : memref<10112x128xf32, #tpu.memory_space<hbm>> -> memref<632x128xf32, #tpu.memory_space<hbm>>
      tpu.enqueue_dma source(%dma_start3A_35 : memref<632x128xf32, #tpu.memory_space<hbm>>) target(%dma_start3A_33 : memref<632x128xf32, #tpu.memory_space<vmem_shared>>) target_semaphore(%run_scoped3A_32 : memref<!tpu.dma_semaphore, #tpu.memory_space<semaphore_mem>>)
      %dma_wait3A = arith.constant 0 : i32
      %dma_wait3A_36 = tpu.memref_slice %arg13[%mul3A_2, %dma_wait3A] : memref<10112x128xf32, #tpu.memory_space<vmem_shared>> -> memref<632x128xf32, #tpu.memory_space<vmem_shared>>
      %dma_wait3A_37 = arith.constant 0 : i32
      %dma_wait3A_38 = tpu.memref_slice %arg8[%mul3A_0, %dma_wait3A_37] : memref<10112x128xf32, #tpu.memory_space<hbm>> -> memref<632x128xf32, #tpu.memory_space<hbm>>
      tpu.wait_dma2 semaphore(%run_scoped3A_32 : memref<!tpu.dma_semaphore, #tpu.memory_space<semaphore_mem>>) src(%dma_wait3A_38 : memref<632x128xf32, #tpu.memory_space<hbm>>) dst(%dma_wait3A_36 : memref<632x128xf32, #tpu.memory_space<vmem_shared>>)
      tpu.yield
    }) : () -> ()
    %barrier3A = arith.constant 0 : index
    tpu.barrier barrier_id(%barrier3A)
    "tpu.region"() ({
      %run_scoped3A_32 = tpu.sem_alloc : memref<!tpu.dma_semaphore, #tpu.memory_space<semaphore_mem>>
      %dma_start3A = arith.constant 0 : i32
      %dma_start3A_33 = arith.constant 0 : i32
      %dma_start3A_34 = tpu.memref_slice %arg4[%arg0, %arg1, %dma_start3A, %dma_start3A_33] : memref<2x16x79x128xi32, #tpu.memory_space<hbm>> -> memref<1x1x79x128xi32, #tpu.memory_space<hbm>>
      %dma_start3A_35 = tpu.memref_squeeze %dma_start3A_34 : memref<1x1x79x128xi32, #tpu.memory_space<hbm>> -> memref<79x128xi32, #tpu.memory_space<hbm>>
      %dma_start3A_36 = arith.constant 0 : i32
      %dma_start3A_37 = arith.constant 0 : i32
      %dma_start3A_38 = tpu.memref_slice %arg4[%arg0, %arg1, %dma_start3A_36, %dma_start3A_37] : memref<2x16x79x128xi32, #tpu.memory_space<hbm>> -> memref<1x1x79x128xi32, #tpu.memory_space<hbm>>
      %dma_start3A_39 = tpu.memref_squeeze %dma_start3A_38 : memref<1x1x79x128xi32, #tpu.memory_space<hbm>> -> memref<79x128xi32, #tpu.memory_space<hbm>>
      tpu.enqueue_dma source(%dma_start3A_39 : memref<79x128xi32, #tpu.memory_space<hbm>>) target(%arg10 : memref<79x128xi32, #tpu.memory_space<vmem>>) target_semaphore(%run_scoped3A_32 : memref<!tpu.dma_semaphore, #tpu.memory_space<semaphore_mem>>)
      %dma_wait3A = arith.constant 0 : i32
      %dma_wait3A_40 = arith.constant 0 : i32
      %dma_wait3A_41 = tpu.memref_slice %arg4[%arg0, %arg1, %dma_wait3A, %dma_wait3A_40] : memref<2x16x79x128xi32, #tpu.memory_space<hbm>> -> memref<1x1x79x128xi32, #tpu.memory_space<hbm>>
      %dma_wait3A_42 = tpu.memref_squeeze %dma_wait3A_41 : memref<1x1x79x128xi32, #tpu.memory_space<hbm>> -> memref<79x128xi32, #tpu.memory_space<hbm>>
      %dma_wait3A_43 = arith.constant 0 : i32
      %dma_wait3A_44 = arith.constant 0 : i32
      %dma_wait3A_45 = tpu.memref_slice %arg4[%arg0, %arg1, %dma_wait3A_43, %dma_wait3A_44] : memref<2x16x79x128xi32, #tpu.memory_space<hbm>> -> memref<1x1x79x128xi32, #tpu.memory_space<hbm>>
      %dma_wait3A_46 = tpu.memref_squeeze %dma_wait3A_45 : memref<1x1x79x128xi32, #tpu.memory_space<hbm>> -> memref<79x128xi32, #tpu.memory_space<hbm>>
      tpu.wait_dma2 semaphore(%run_scoped3A_32 : memref<!tpu.dma_semaphore, #tpu.memory_space<semaphore_mem>>) src(%dma_wait3A_46 : memref<79x128xi32, #tpu.memory_space<hbm>>) dst(%arg10 : memref<79x128xi32, #tpu.memory_space<vmem>>)
      tpu.yield
    }) : () -> ()
    "tpu.region"() ({
      %run_scoped3A_32 = tpu.sem_alloc : memref<!tpu.dma_semaphore, #tpu.memory_space<semaphore_mem>>
      %dma_start3A = arith.constant 0 : i32
      %dma_start3A_33 = arith.constant 0 : i32
      %dma_start3A_34 = tpu.memref_slice %arg6[%arg1, %dma_start3A, %dma_start3A_33] : memref<16x79x128xi32, #tpu.memory_space<hbm>> -> memref<1x79x128xi32, #tpu.memory_space<hbm>>
      %dma_start3A_35 = tpu.memref_squeeze %dma_start3A_34 : memref<1x79x128xi32, #tpu.memory_space<hbm>> -> memref<79x128xi32, #tpu.memory_space<hbm>>
      %dma_start3A_36 = arith.constant 0 : i32
      %dma_start3A_37 = arith.constant 0 : i32
      %dma_start3A_38 = tpu.memref_slice %arg6[%arg1, %dma_start3A_36, %dma_start3A_37] : memref<16x79x128xi32, #tpu.memory_space<hbm>> -> memref<1x79x128xi32, #tpu.memory_space<hbm>>
      %dma_start3A_39 = tpu.memref_squeeze %dma_start3A_38 : memref<1x79x128xi32, #tpu.memory_space<hbm>> -> memref<79x128xi32, #tpu.memory_space<hbm>>
      tpu.enqueue_dma source(%dma_start3A_39 : memref<79x128xi32, #tpu.memory_space<hbm>>) target(%arg11 : memref<79x128xi32, #tpu.memory_space<vmem>>) target_semaphore(%run_scoped3A_32 : memref<!tpu.dma_semaphore, #tpu.memory_space<semaphore_mem>>)
      %dma_wait3A = arith.constant 0 : i32
      %dma_wait3A_40 = arith.constant 0 : i32
      %dma_wait3A_41 = tpu.memref_slice %arg6[%arg1, %dma_wait3A, %dma_wait3A_40] : memref<16x79x128xi32, #tpu.memory_space<hbm>> -> memref<1x79x128xi32, #tpu.memory_space<hbm>>
      %dma_wait3A_42 = tpu.memref_squeeze %dma_wait3A_41 : memref<1x79x128xi32, #tpu.memory_space<hbm>> -> memref<79x128xi32, #tpu.memory_space<hbm>>
      %dma_wait3A_43 = arith.constant 0 : i32
      %dma_wait3A_44 = arith.constant 0 : i32
      %dma_wait3A_45 = tpu.memref_slice %arg6[%arg1, %dma_wait3A_43, %dma_wait3A_44] : memref<16x79x128xi32, #tpu.memory_space<hbm>> -> memref<1x79x128xi32, #tpu.memory_space<hbm>>
      %dma_wait3A_46 = tpu.memref_squeeze %dma_wait3A_45 : memref<1x79x128xi32, #tpu.memory_space<hbm>> -> memref<79x128xi32, #tpu.memory_space<hbm>>
      tpu.wait_dma2 semaphore(%run_scoped3A_32 : memref<!tpu.dma_semaphore, #tpu.memory_space<semaphore_mem>>) src(%dma_wait3A_46 : memref<79x128xi32, #tpu.memory_space<hbm>>) dst(%arg11 : memref<79x128xi32, #tpu.memory_space<vmem>>)
      tpu.yield
    }) : () -> ()
    %scan3A = arith.constant 0 : i32
    %scan3A_3 = arith.constant 0 : i32
    %scan3A_4 = arith.constant 79 : i32
    %scan3A_5 = arith.addi %scan3A_3, %scan3A_4 : i32
    %scan3A_6 = arith.constant 1 : i32
    scf.for %scan3A_32 = %scan3A_3 to %scan3A_5 step %scan3A_6  : i32 {
      %dma_start3A = arith.constant 0 : i32
      %dma_start3A_33 = tpu.memref_slice %arg10[%scan3A_32, %dma_start3A] : memref<79x128xi32, #tpu.memory_space<vmem>> -> memref<1x128xi32, #tpu.memory_space<vmem>>
      %dma_start3A_34 = tpu.memref_squeeze %dma_start3A_33 : memref<1x128xi32, #tpu.memory_space<vmem>> -> memref<128xi32, #tpu.memory_space<vmem>>
      %dma_start3A_35 = arith.constant 0 : i32
      %dma_start3A_36 = arith.constant 0 : i32
      %dma_start3A_37 = tpu.memref_slice %arg2[%dma_start3A_35, %dma_start3A_36] : memref<20000x128xf32, #tpu.memory_space<hbm>> -> memref<20000x128xf32, #tpu.memory_space<hbm>>
      tpu.enqueue_indirect_dma source(%dma_start3A_37 : memref<20000x128xf32, #tpu.memory_space<hbm>>) target(%arg12 : memref<128x128xf32, #tpu.memory_space<vmem>>) offsets(%dma_start3A_34 : memref<128xi32, #tpu.memory_space<vmem>>) semaphore(%arg14 : memref<!tpu.dma_semaphore, #tpu.memory_space<semaphore_mem>>)
      %dma_wait3A = arith.constant 0 : i32
      %dma_wait3A_38 = tpu.memref_slice %arg10[%scan3A_32, %dma_wait3A] : memref<79x128xi32, #tpu.memory_space<vmem>> -> memref<1x128xi32, #tpu.memory_space<vmem>>
      %dma_wait3A_39 = tpu.memref_squeeze %dma_wait3A_38 : memref<1x128xi32, #tpu.memory_space<vmem>> -> memref<128xi32, #tpu.memory_space<vmem>>
      %dma_wait3A_40 = arith.constant 0 : i32
      %dma_wait3A_41 = arith.constant 0 : i32
      %dma_wait3A_42 = tpu.memref_slice %arg2[%dma_wait3A_40, %dma_wait3A_41] : memref<20000x128xf32, #tpu.memory_space<hbm>> -> memref<20000x128xf32, #tpu.memory_space<hbm>>
      tpu.wait_indirect_dma semaphore(%arg14 : memref<!tpu.dma_semaphore, #tpu.memory_space<semaphore_mem>>) src(%dma_wait3A_42 : memref<20000x128xf32, #tpu.memory_space<hbm>>) dst(%arg12 : memref<128x128xf32, #tpu.memory_space<vmem>>)
      "tpu.region"() ({
        %run_scoped3A_43 = tpu.sem_alloc : memref<!tpu.dma_semaphore, #tpu.memory_space<semaphore_mem>>
        %dma_start3A_44 = arith.constant 0 : i32
        %dma_start3A_45 = tpu.memref_slice %arg11[%scan3A_32, %dma_start3A_44] : memref<79x128xi32, #tpu.memory_space<vmem>> -> memref<1x128xi32, #tpu.memory_space<vmem>>
        %dma_start3A_46 = tpu.memref_squeeze %dma_start3A_45 : memref<1x128xi32, #tpu.memory_space<vmem>> -> memref<128xi32, #tpu.memory_space<vmem>>
        %dma_start3A_47 = arith.constant 0 : i32
        %dma_start3A_48 = arith.constant 0 : i32
        %dma_start3A_49 = tpu.memref_slice %arg13[%dma_start3A_47, %dma_start3A_48] : memref<10112x128xf32, #tpu.memory_space<vmem_shared>> -> memref<10112x128xf32, #tpu.memory_space<vmem_shared>>
        tpu.enqueue_indirect_dma source(%arg12 : memref<128x128xf32, #tpu.memory_space<vmem>>) target(%dma_start3A_49 : memref<10112x128xf32, #tpu.memory_space<vmem_shared>>) offsets(%dma_start3A_46 : memref<128xi32, #tpu.memory_space<vmem>>) semaphore(%run_scoped3A_43 : memref<!tpu.dma_semaphore, #tpu.memory_space<semaphore_mem>>) {add = true}
        %dma_wait3A_50 = arith.constant 0 : i32
        %dma_wait3A_51 = tpu.memref_slice %arg11[%scan3A_32, %dma_wait3A_50] : memref<79x128xi32, #tpu.memory_space<vmem>> -> memref<1x128xi32, #tpu.memory_space<vmem>>
        %dma_wait3A_52 = tpu.memref_squeeze %dma_wait3A_51 : memref<1x128xi32, #tpu.memory_space<vmem>> -> memref<128xi32, #tpu.memory_space<vmem>>
        %dma_wait3A_53 = arith.constant 0 : i32
        %dma_wait3A_54 = arith.constant 0 : i32
        %dma_wait3A_55 = tpu.memref_slice %arg13[%dma_wait3A_53, %dma_wait3A_54] : memref<10112x128xf32, #tpu.memory_space<vmem_shared>> -> memref<10112x128xf32, #tpu.memory_space<vmem_shared>>
        tpu.wait_indirect_dma semaphore(%run_scoped3A_43 : memref<!tpu.dma_semaphore, #tpu.memory_space<semaphore_mem>>) src(%arg12 : memref<128x128xf32, #tpu.memory_space<vmem>>) dst(%dma_wait3A_55 : memref<10112x128xf32, #tpu.memory_space<vmem_shared>>)
        tpu.yield
      }) : () -> ()
    }
    %scan3A_7 = arith.constant 79 : i32
    %barrier3A_8 = arith.constant 0 : index
    tpu.barrier barrier_id(%barrier3A_8)
    %mul3A_9 = arith.constant 632 : i32
    %mul3A_10 = arith.muli %arg1, %mul3A_9 : i32
    %mul3A_11 = arith.constant 632 : i32
    %mul3A_12 = arith.muli %arg1, %mul3A_11 : i32
    %run_scoped3A = arith.constant 0 : i32
    "tpu.region"() ({
      %run_scoped3A_32 = tpu.sem_alloc : memref<!tpu.dma_semaphore, #tpu.memory_space<semaphore_mem>>
      %dma_start3A = arith.constant 0 : i32
      %dma_start3A_33 = tpu.memref_slice %arg9[%run_scoped3A, %arg0, %mul3A_12, %dma_start3A] : memref<2x2x10112x128xf32, #tpu.memory_space<hbm>> -> memref<1x1x632x128xf32, #tpu.memory_space<hbm>>
      %dma_start3A_34 = tpu.memref_squeeze %dma_start3A_33 : memref<1x1x632x128xf32, #tpu.memory_space<hbm>> -> memref<632x128xf32, #tpu.memory_space<hbm>>
      %dma_start3A_35 = arith.constant 0 : i32
      %dma_start3A_36 = tpu.memref_slice %arg13[%mul3A_10, %dma_start3A_35] : memref<10112x128xf32, #tpu.memory_space<vmem_shared>> -> memref<632x128xf32, #tpu.memory_space<vmem_shared>>
      tpu.enqueue_dma source(%dma_start3A_36 : memref<632x128xf32, #tpu.memory_space<vmem_shared>>) target(%dma_start3A_34 : memref<632x128xf32, #tpu.memory_space<hbm>>) target_semaphore(%run_scoped3A_32 : memref<!tpu.dma_semaphore, #tpu.memory_space<semaphore_mem>>)
      %dma_wait3A = arith.constant 0 : i32
      %dma_wait3A_37 = tpu.memref_slice %arg9[%run_scoped3A, %arg0, %mul3A_12, %dma_wait3A] : memref<2x2x10112x128xf32, #tpu.memory_space<hbm>> -> memref<1x1x632x128xf32, #tpu.memory_space<hbm>>
      %dma_wait3A_38 = tpu.memref_squeeze %dma_wait3A_37 : memref<1x1x632x128xf32, #tpu.memory_space<hbm>> -> memref<632x128xf32, #tpu.memory_space<hbm>>
      %dma_wait3A_39 = arith.constant 0 : i32
      %dma_wait3A_40 = tpu.memref_slice %arg13[%mul3A_10, %dma_wait3A_39] : memref<10112x128xf32, #tpu.memory_space<vmem_shared>> -> memref<632x128xf32, #tpu.memory_space<vmem_shared>>
      tpu.wait_dma2 semaphore(%run_scoped3A_32 : memref<!tpu.dma_semaphore, #tpu.memory_space<semaphore_mem>>) src(%dma_wait3A_40 : memref<632x128xf32, #tpu.memory_space<vmem_shared>>) dst(%dma_wait3A_38 : memref<632x128xf32, #tpu.memory_space<hbm>>)
      tpu.yield
    }) : () -> ()
    %barrier3A_13 = arith.constant 0 : index
    tpu.barrier barrier_id(%barrier3A_13)
    %mul3A_14 = arith.constant 632 : i32
    %mul3A_15 = arith.muli %arg1, %mul3A_14 : i32
    %mul3A_16 = arith.constant 632 : i32
    %mul3A_17 = arith.muli %arg1, %mul3A_16 : i32
    "tpu.region"() ({
      %run_scoped3A_32 = tpu.sem_alloc : memref<!tpu.dma_semaphore, #tpu.memory_space<semaphore_mem>>
      %dma_start3A = arith.constant 0 : i32
      %dma_start3A_33 = tpu.memref_slice %arg13[%mul3A_17, %dma_start3A] : memref<10112x128xf32, #tpu.memory_space<vmem_shared>> -> memref<632x128xf32, #tpu.memory_space<vmem_shared>>
      %dma_start3A_34 = arith.constant 0 : i32
      %dma_start3A_35 = tpu.memref_slice %arg8[%mul3A_15, %dma_start3A_34] : memref<10112x128xf32, #tpu.memory_space<hbm>> -> memref<632x128xf32, #tpu.memory_space<hbm>>
      tpu.enqueue_dma source(%dma_start3A_35 : memref<632x128xf32, #tpu.memory_space<hbm>>) target(%dma_start3A_33 : memref<632x128xf32, #tpu.memory_space<vmem_shared>>) target_semaphore(%run_scoped3A_32 : memref<!tpu.dma_semaphore, #tpu.memory_space<semaphore_mem>>)
      %dma_wait3A = arith.constant 0 : i32
      %dma_wait3A_36 = tpu.memref_slice %arg13[%mul3A_17, %dma_wait3A] : memref<10112x128xf32, #tpu.memory_space<vmem_shared>> -> memref<632x128xf32, #tpu.memory_space<vmem_shared>>
      %dma_wait3A_37 = arith.constant 0 : i32
      %dma_wait3A_38 = tpu.memref_slice %arg8[%mul3A_15, %dma_wait3A_37] : memref<10112x128xf32, #tpu.memory_space<hbm>> -> memref<632x128xf32, #tpu.memory_space<hbm>>
      tpu.wait_dma2 semaphore(%run_scoped3A_32 : memref<!tpu.dma_semaphore, #tpu.memory_space<semaphore_mem>>) src(%dma_wait3A_38 : memref<632x128xf32, #tpu.memory_space<hbm>>) dst(%dma_wait3A_36 : memref<632x128xf32, #tpu.memory_space<vmem_shared>>)
      tpu.yield
    }) : () -> ()
    %barrier3A_18 = arith.constant 0 : index
    tpu.barrier barrier_id(%barrier3A_18)
    "tpu.region"() ({
      %run_scoped3A_32 = tpu.sem_alloc : memref<!tpu.dma_semaphore, #tpu.memory_space<semaphore_mem>>
      %dma_start3A = arith.constant 0 : i32
      %dma_start3A_33 = arith.constant 0 : i32
      %dma_start3A_34 = tpu.memref_slice %arg5[%arg0, %arg1, %dma_start3A, %dma_start3A_33] : memref<2x16x79x128xi32, #tpu.memory_space<hbm>> -> memref<1x1x79x128xi32, #tpu.memory_space<hbm>>
      %dma_start3A_35 = tpu.memref_squeeze %dma_start3A_34 : memref<1x1x79x128xi32, #tpu.memory_space<hbm>> -> memref<79x128xi32, #tpu.memory_space<hbm>>
      %dma_start3A_36 = arith.constant 0 : i32
      %dma_start3A_37 = arith.constant 0 : i32
      %dma_start3A_38 = tpu.memref_slice %arg5[%arg0, %arg1, %dma_start3A_36, %dma_start3A_37] : memref<2x16x79x128xi32, #tpu.memory_space<hbm>> -> memref<1x1x79x128xi32, #tpu.memory_space<hbm>>
      %dma_start3A_39 = tpu.memref_squeeze %dma_start3A_38 : memref<1x1x79x128xi32, #tpu.memory_space<hbm>> -> memref<79x128xi32, #tpu.memory_space<hbm>>
      tpu.enqueue_dma source(%dma_start3A_39 : memref<79x128xi32, #tpu.memory_space<hbm>>) target(%arg10 : memref<79x128xi32, #tpu.memory_space<vmem>>) target_semaphore(%run_scoped3A_32 : memref<!tpu.dma_semaphore, #tpu.memory_space<semaphore_mem>>)
      %dma_wait3A = arith.constant 0 : i32
      %dma_wait3A_40 = arith.constant 0 : i32
      %dma_wait3A_41 = tpu.memref_slice %arg5[%arg0, %arg1, %dma_wait3A, %dma_wait3A_40] : memref<2x16x79x128xi32, #tpu.memory_space<hbm>> -> memref<1x1x79x128xi32, #tpu.memory_space<hbm>>
      %dma_wait3A_42 = tpu.memref_squeeze %dma_wait3A_41 : memref<1x1x79x128xi32, #tpu.memory_space<hbm>> -> memref<79x128xi32, #tpu.memory_space<hbm>>
      %dma_wait3A_43 = arith.constant 0 : i32
      %dma_wait3A_44 = arith.constant 0 : i32
      %dma_wait3A_45 = tpu.memref_slice %arg5[%arg0, %arg1, %dma_wait3A_43, %dma_wait3A_44] : memref<2x16x79x128xi32, #tpu.memory_space<hbm>> -> memref<1x1x79x128xi32, #tpu.memory_space<hbm>>
      %dma_wait3A_46 = tpu.memref_squeeze %dma_wait3A_45 : memref<1x1x79x128xi32, #tpu.memory_space<hbm>> -> memref<79x128xi32, #tpu.memory_space<hbm>>
      tpu.wait_dma2 semaphore(%run_scoped3A_32 : memref<!tpu.dma_semaphore, #tpu.memory_space<semaphore_mem>>) src(%dma_wait3A_46 : memref<79x128xi32, #tpu.memory_space<hbm>>) dst(%arg10 : memref<79x128xi32, #tpu.memory_space<vmem>>)
      tpu.yield
    }) : () -> ()
    "tpu.region"() ({
      %run_scoped3A_32 = tpu.sem_alloc : memref<!tpu.dma_semaphore, #tpu.memory_space<semaphore_mem>>
      %dma_start3A = arith.constant 0 : i32
      %dma_start3A_33 = arith.constant 0 : i32
      %dma_start3A_34 = tpu.memref_slice %arg7[%arg1, %dma_start3A, %dma_start3A_33] : memref<16x79x128xi32, #tpu.memory_space<hbm>> -> memref<1x79x128xi32, #tpu.memory_space<hbm>>
      %dma_start3A_35 = tpu.memref_squeeze %dma_start3A_34 : memref<1x79x128xi32, #tpu.memory_space<hbm>> -> memref<79x128xi32, #tpu.memory_space<hbm>>
      %dma_start3A_36 = arith.constant 0 : i32
      %dma_start3A_37 = arith.constant 0 : i32
      %dma_start3A_38 = tpu.memref_slice %arg7[%arg1, %dma_start3A_36, %dma_start3A_37] : memref<16x79x128xi32, #tpu.memory_space<hbm>> -> memref<1x79x128xi32, #tpu.memory_space<hbm>>
      %dma_start3A_39 = tpu.memref_squeeze %dma_start3A_38 : memref<1x79x128xi32, #tpu.memory_space<hbm>> -> memref<79x128xi32, #tpu.memory_space<hbm>>
      tpu.enqueue_dma source(%dma_start3A_39 : memref<79x128xi32, #tpu.memory_space<hbm>>) target(%arg11 : memref<79x128xi32, #tpu.memory_space<vmem>>) target_semaphore(%run_scoped3A_32 : memref<!tpu.dma_semaphore, #tpu.memory_space<semaphore_mem>>)
      %dma_wait3A = arith.constant 0 : i32
      %dma_wait3A_40 = arith.constant 0 : i32
      %dma_wait3A_41 = tpu.memref_slice %arg7[%arg1, %dma_wait3A, %dma_wait3A_40] : memref<16x79x128xi32, #tpu.memory_space<hbm>> -> memref<1x79x128xi32, #tpu.memory_space<hbm>>
      %dma_wait3A_42 = tpu.memref_squeeze %dma_wait3A_41 : memref<1x79x128xi32, #tpu.memory_space<hbm>> -> memref<79x128xi32, #tpu.memory_space<hbm>>
      %dma_wait3A_43 = arith.constant 0 : i32
      %dma_wait3A_44 = arith.constant 0 : i32
      %dma_wait3A_45 = tpu.memref_slice %arg7[%arg1, %dma_wait3A_43, %dma_wait3A_44] : memref<16x79x128xi32, #tpu.memory_space<hbm>> -> memref<1x79x128xi32, #tpu.memory_space<hbm>>
      %dma_wait3A_46 = tpu.memref_squeeze %dma_wait3A_45 : memref<1x79x128xi32, #tpu.memory_space<hbm>> -> memref<79x128xi32, #tpu.memory_space<hbm>>
      tpu.wait_dma2 semaphore(%run_scoped3A_32 : memref<!tpu.dma_semaphore, #tpu.memory_space<semaphore_mem>>) src(%dma_wait3A_46 : memref<79x128xi32, #tpu.memory_space<hbm>>) dst(%arg11 : memref<79x128xi32, #tpu.memory_space<vmem>>)
      tpu.yield
    }) : () -> ()
    %scan3A_19 = arith.constant 0 : i32
    %scan3A_20 = arith.constant 0 : i32
    %scan3A_21 = arith.constant 79 : i32
    %scan3A_22 = arith.addi %scan3A_20, %scan3A_21 : i32
    %scan3A_23 = arith.constant 1 : i32
    scf.for %scan3A_32 = %scan3A_20 to %scan3A_22 step %scan3A_23  : i32 {
      %dma_start3A = arith.constant 0 : i32
      %dma_start3A_33 = tpu.memref_slice %arg10[%scan3A_32, %dma_start3A] : memref<79x128xi32, #tpu.memory_space<vmem>> -> memref<1x128xi32, #tpu.memory_space<vmem>>
      %dma_start3A_34 = tpu.memref_squeeze %dma_start3A_33 : memref<1x128xi32, #tpu.memory_space<vmem>> -> memref<128xi32, #tpu.memory_space<vmem>>
      %dma_start3A_35 = arith.constant 0 : i32
      %dma_start3A_36 = arith.constant 0 : i32
      %dma_start3A_37 = tpu.memref_slice %arg3[%dma_start3A_35, %dma_start3A_36] : memref<20000x128xf32, #tpu.memory_space<hbm>> -> memref<20000x128xf32, #tpu.memory_space<hbm>>
      tpu.enqueue_indirect_dma source(%dma_start3A_37 : memref<20000x128xf32, #tpu.memory_space<hbm>>) target(%arg12 : memref<128x128xf32, #tpu.memory_space<vmem>>) offsets(%dma_start3A_34 : memref<128xi32, #tpu.memory_space<vmem>>) semaphore(%arg14 : memref<!tpu.dma_semaphore, #tpu.memory_space<semaphore_mem>>)
      %dma_wait3A = arith.constant 0 : i32
      %dma_wait3A_38 = tpu.memref_slice %arg10[%scan3A_32, %dma_wait3A] : memref<79x128xi32, #tpu.memory_space<vmem>> -> memref<1x128xi32, #tpu.memory_space<vmem>>
      %dma_wait3A_39 = tpu.memref_squeeze %dma_wait3A_38 : memref<1x128xi32, #tpu.memory_space<vmem>> -> memref<128xi32, #tpu.memory_space<vmem>>
      %dma_wait3A_40 = arith.constant 0 : i32
      %dma_wait3A_41 = arith.constant 0 : i32
      %dma_wait3A_42 = tpu.memref_slice %arg3[%dma_wait3A_40, %dma_wait3A_41] : memref<20000x128xf32, #tpu.memory_space<hbm>> -> memref<20000x128xf32, #tpu.memory_space<hbm>>
      tpu.wait_indirect_dma semaphore(%arg14 : memref<!tpu.dma_semaphore, #tpu.memory_space<semaphore_mem>>) src(%dma_wait3A_42 : memref<20000x128xf32, #tpu.memory_space<hbm>>) dst(%arg12 : memref<128x128xf32, #tpu.memory_space<vmem>>)
      "tpu.region"() ({
        %run_scoped3A_43 = tpu.sem_alloc : memref<!tpu.dma_semaphore, #tpu.memory_space<semaphore_mem>>
        %dma_start3A_44 = arith.constant 0 : i32
        %dma_start3A_45 = tpu.memref_slice %arg11[%scan3A_32, %dma_start3A_44] : memref<79x128xi32, #tpu.memory_space<vmem>> -> memref<1x128xi32, #tpu.memory_space<vmem>>
        %dma_start3A_46 = tpu.memref_squeeze %dma_start3A_45 : memref<1x128xi32, #tpu.memory_space<vmem>> -> memref<128xi32, #tpu.memory_space<vmem>>
        %dma_start3A_47 = arith.constant 0 : i32
        %dma_start3A_48 = arith.constant 0 : i32
        %dma_start3A_49 = tpu.memref_slice %arg13[%dma_start3A_47, %dma_start3A_48] : memref<10112x128xf32, #tpu.memory_space<vmem_shared>> -> memref<10112x128xf32, #tpu.memory_space<vmem_shared>>
        tpu.enqueue_indirect_dma source(%arg12 : memref<128x128xf32, #tpu.memory_space<vmem>>) target(%dma_start3A_49 : memref<10112x128xf32, #tpu.memory_space<vmem_shared>>) offsets(%dma_start3A_46 : memref<128xi32, #tpu.memory_space<vmem>>) semaphore(%run_scoped3A_43 : memref<!tpu.dma_semaphore, #tpu.memory_space<semaphore_mem>>) {add = true}
        %dma_wait3A_50 = arith.constant 0 : i32
        %dma_wait3A_51 = tpu.memref_slice %arg11[%scan3A_32, %dma_wait3A_50] : memref<79x128xi32, #tpu.memory_space<vmem>> -> memref<1x128xi32, #tpu.memory_space<vmem>>
        %dma_wait3A_52 = tpu.memref_squeeze %dma_wait3A_51 : memref<1x128xi32, #tpu.memory_space<vmem>> -> memref<128xi32, #tpu.memory_space<vmem>>
        %dma_wait3A_53 = arith.constant 0 : i32
        %dma_wait3A_54 = arith.constant 0 : i32
        %dma_wait3A_55 = tpu.memref_slice %arg13[%dma_wait3A_53, %dma_wait3A_54] : memref<10112x128xf32, #tpu.memory_space<vmem_shared>> -> memref<10112x128xf32, #tpu.memory_space<vmem_shared>>
        tpu.wait_indirect_dma semaphore(%run_scoped3A_43 : memref<!tpu.dma_semaphore, #tpu.memory_space<semaphore_mem>>) src(%arg12 : memref<128x128xf32, #tpu.memory_space<vmem>>) dst(%dma_wait3A_55 : memref<10112x128xf32, #tpu.memory_space<vmem_shared>>)
        tpu.yield
      }) : () -> ()
    }
    %scan3A_24 = arith.constant 79 : i32
    %barrier3A_25 = arith.constant 0 : index
    tpu.barrier barrier_id(%barrier3A_25)
    %mul3A_26 = arith.constant 632 : i32
    %mul3A_27 = arith.muli %arg1, %mul3A_26 : i32
    %mul3A_28 = arith.constant 632 : i32
    %mul3A_29 = arith.muli %arg1, %mul3A_28 : i32
    %run_scoped3A_30 = arith.constant 1 : i32
    "tpu.region"() ({
      %run_scoped3A_32 = tpu.sem_alloc : memref<!tpu.dma_semaphore, #tpu.memory_space<semaphore_mem>>
      %dma_start3A = arith.constant 0 : i32
      %dma_start3A_33 = tpu.memref_slice %arg9[%run_scoped3A_30, %arg0, %mul3A_29, %dma_start3A] : memref<2x2x10112x128xf32, #tpu.memory_space<hbm>> -> memref<1x1x632x128xf32, #tpu.memory_space<hbm>>
      %dma_start3A_34 = tpu.memref_squeeze %dma_start3A_33 : memref<1x1x632x128xf32, #tpu.memory_space<hbm>> -> memref<632x128xf32, #tpu.memory_space<hbm>>
      %dma_start3A_35 = arith.constant 0 : i32
      %dma_start3A_36 = tpu.memref_slice %arg13[%mul3A_27, %dma_start3A_35] : memref<10112x128xf32, #tpu.memory_space<vmem_shared>> -> memref<632x128xf32, #tpu.memory_space<vmem_shared>>
      tpu.enqueue_dma source(%dma_start3A_36 : memref<632x128xf32, #tpu.memory_space<vmem_shared>>) target(%dma_start3A_34 : memref<632x128xf32, #tpu.memory_space<hbm>>) target_semaphore(%run_scoped3A_32 : memref<!tpu.dma_semaphore, #tpu.memory_space<semaphore_mem>>)
      %dma_wait3A = arith.constant 0 : i32
      %dma_wait3A_37 = tpu.memref_slice %arg9[%run_scoped3A_30, %arg0, %mul3A_29, %dma_wait3A] : memref<2x2x10112x128xf32, #tpu.memory_space<hbm>> -> memref<1x1x632x128xf32, #tpu.memory_space<hbm>>
      %dma_wait3A_38 = tpu.memref_squeeze %dma_wait3A_37 : memref<1x1x632x128xf32, #tpu.memory_space<hbm>> -> memref<632x128xf32, #tpu.memory_space<hbm>>
      %dma_wait3A_39 = arith.constant 0 : i32
      %dma_wait3A_40 = tpu.memref_slice %arg13[%mul3A_27, %dma_wait3A_39] : memref<10112x128xf32, #tpu.memory_space<vmem_shared>> -> memref<632x128xf32, #tpu.memory_space<vmem_shared>>
      tpu.wait_dma2 semaphore(%run_scoped3A_32 : memref<!tpu.dma_semaphore, #tpu.memory_space<semaphore_mem>>) src(%dma_wait3A_40 : memref<632x128xf32, #tpu.memory_space<vmem_shared>>) dst(%dma_wait3A_38 : memref<632x128xf32, #tpu.memory_space<hbm>>)
      tpu.yield
    }) : () -> ()
    %barrier3A_31 = arith.constant 0 : index
    tpu.barrier barrier_id(%barrier3A_31)
    return
  }
}

#map = affine_map<(d0, d1) -> (0, 0)>
#map1 = affine_map<(d0, d1) -> (0, 0, 0, 0)>
#map2 = affine_map<(d0, d1) -> (0, 0, 0)>
module attributes {stable_mosaic.version = 14 : i64} {
  func.func @_spmm2_sc(%arg0: i32, %arg1: i32, %arg2: memref<20000x128xf32, #tpu.memory_space<hbm>>, %arg3: memref<2x16x79x128xi32, #tpu.memory_space<hbm>>, %arg4: memref<2x16x79x128xi32, #tpu.memory_space<hbm>>, %arg5: memref<10112x128xf32, #tpu.memory_space<hbm>>, %arg6: memref<2x10112x128xf32, #tpu.memory_space<hbm>>, %arg7: memref<79x128xi32, #tpu.memory_space<vmem>>, %arg8: memref<79x128xi32, #tpu.memory_space<vmem>>, %arg9: memref<128x128xf32, #tpu.memory_space<vmem>>, %arg10: memref<10112x128xf32, #tpu.memory_space<vmem_shared>>, %arg11: memref<!tpu.dma_semaphore, #tpu.memory_space<semaphore_mem>>) attributes {dimension_semantics = [#tpu.dimension_semantics<core_parallel>, #tpu.dimension_semantics<subcore_parallel>], iteration_bounds = array<i64: 2, 16>, scalar_prefetch = 0 : i64, scratch_operands = 5 : i64, tpu.core_type = #tpu.core_type<sc_vector_subcore>, window_params = [{transform_indices = #map}, {transform_indices = #map1}, {transform_indices = #map1}, {transform_indices = #map}, {transform_indices = #map2}]} {
    %mul3A = arith.constant 632 : i32
    %mul3A_0 = arith.muli %arg1, %mul3A : i32
    %mul3A_1 = arith.constant 632 : i32
    %mul3A_2 = arith.muli %arg1, %mul3A_1 : i32
    "tpu.region"() ({
      %run_scoped3A = tpu.sem_alloc : memref<!tpu.dma_semaphore, #tpu.memory_space<semaphore_mem>>
      %dma_start3A = arith.constant 0 : i32
      %dma_start3A_13 = tpu.memref_slice %arg10[%mul3A_2, %dma_start3A] : memref<10112x128xf32, #tpu.memory_space<vmem_shared>> -> memref<632x128xf32, #tpu.memory_space<vmem_shared>>
      %dma_start3A_14 = arith.constant 0 : i32
      %dma_start3A_15 = tpu.memref_slice %arg5[%mul3A_0, %dma_start3A_14] : memref<10112x128xf32, #tpu.memory_space<hbm>> -> memref<632x128xf32, #tpu.memory_space<hbm>>
      tpu.enqueue_dma source(%dma_start3A_15 : memref<632x128xf32, #tpu.memory_space<hbm>>) target(%dma_start3A_13 : memref<632x128xf32, #tpu.memory_space<vmem_shared>>) target_semaphore(%run_scoped3A : memref<!tpu.dma_semaphore, #tpu.memory_space<semaphore_mem>>)
      %dma_wait3A = arith.constant 0 : i32
      %dma_wait3A_16 = tpu.memref_slice %arg10[%mul3A_2, %dma_wait3A] : memref<10112x128xf32, #tpu.memory_space<vmem_shared>> -> memref<632x128xf32, #tpu.memory_space<vmem_shared>>
      %dma_wait3A_17 = arith.constant 0 : i32
      %dma_wait3A_18 = tpu.memref_slice %arg5[%mul3A_0, %dma_wait3A_17] : memref<10112x128xf32, #tpu.memory_space<hbm>> -> memref<632x128xf32, #tpu.memory_space<hbm>>
      tpu.wait_dma2 semaphore(%run_scoped3A : memref<!tpu.dma_semaphore, #tpu.memory_space<semaphore_mem>>) src(%dma_wait3A_18 : memref<632x128xf32, #tpu.memory_space<hbm>>) dst(%dma_wait3A_16 : memref<632x128xf32, #tpu.memory_space<vmem_shared>>)
      tpu.yield
    }) : () -> ()
    %barrier3A = arith.constant 0 : index
    tpu.barrier barrier_id(%barrier3A)
    "tpu.region"() ({
      %run_scoped3A = tpu.sem_alloc : memref<!tpu.dma_semaphore, #tpu.memory_space<semaphore_mem>>
      %dma_start3A = arith.constant 0 : i32
      %dma_start3A_13 = arith.constant 0 : i32
      %dma_start3A_14 = tpu.memref_slice %arg3[%arg0, %arg1, %dma_start3A, %dma_start3A_13] : memref<2x16x79x128xi32, #tpu.memory_space<hbm>> -> memref<1x1x79x128xi32, #tpu.memory_space<hbm>>
      %dma_start3A_15 = tpu.memref_squeeze %dma_start3A_14 : memref<1x1x79x128xi32, #tpu.memory_space<hbm>> -> memref<79x128xi32, #tpu.memory_space<hbm>>
      %dma_start3A_16 = arith.constant 0 : i32
      %dma_start3A_17 = arith.constant 0 : i32
      %dma_start3A_18 = tpu.memref_slice %arg3[%arg0, %arg1, %dma_start3A_16, %dma_start3A_17] : memref<2x16x79x128xi32, #tpu.memory_space<hbm>> -> memref<1x1x79x128xi32, #tpu.memory_space<hbm>>
      %dma_start3A_19 = tpu.memref_squeeze %dma_start3A_18 : memref<1x1x79x128xi32, #tpu.memory_space<hbm>> -> memref<79x128xi32, #tpu.memory_space<hbm>>
      tpu.enqueue_dma source(%dma_start3A_19 : memref<79x128xi32, #tpu.memory_space<hbm>>) target(%arg7 : memref<79x128xi32, #tpu.memory_space<vmem>>) target_semaphore(%run_scoped3A : memref<!tpu.dma_semaphore, #tpu.memory_space<semaphore_mem>>)
      %dma_wait3A = arith.constant 0 : i32
      %dma_wait3A_20 = arith.constant 0 : i32
      %dma_wait3A_21 = tpu.memref_slice %arg3[%arg0, %arg1, %dma_wait3A, %dma_wait3A_20] : memref<2x16x79x128xi32, #tpu.memory_space<hbm>> -> memref<1x1x79x128xi32, #tpu.memory_space<hbm>>
      %dma_wait3A_22 = tpu.memref_squeeze %dma_wait3A_21 : memref<1x1x79x128xi32, #tpu.memory_space<hbm>> -> memref<79x128xi32, #tpu.memory_space<hbm>>
      %dma_wait3A_23 = arith.constant 0 : i32
      %dma_wait3A_24 = arith.constant 0 : i32
      %dma_wait3A_25 = tpu.memref_slice %arg3[%arg0, %arg1, %dma_wait3A_23, %dma_wait3A_24] : memref<2x16x79x128xi32, #tpu.memory_space<hbm>> -> memref<1x1x79x128xi32, #tpu.memory_space<hbm>>
      %dma_wait3A_26 = tpu.memref_squeeze %dma_wait3A_25 : memref<1x1x79x128xi32, #tpu.memory_space<hbm>> -> memref<79x128xi32, #tpu.memory_space<hbm>>
      tpu.wait_dma2 semaphore(%run_scoped3A : memref<!tpu.dma_semaphore, #tpu.memory_space<semaphore_mem>>) src(%dma_wait3A_26 : memref<79x128xi32, #tpu.memory_space<hbm>>) dst(%arg7 : memref<79x128xi32, #tpu.memory_space<vmem>>)
      tpu.yield
    }) : () -> ()
    "tpu.region"() ({
      %run_scoped3A = tpu.sem_alloc : memref<!tpu.dma_semaphore, #tpu.memory_space<semaphore_mem>>
      %dma_start3A = arith.constant 0 : i32
      %dma_start3A_13 = arith.constant 0 : i32
      %dma_start3A_14 = tpu.memref_slice %arg4[%arg0, %arg1, %dma_start3A, %dma_start3A_13] : memref<2x16x79x128xi32, #tpu.memory_space<hbm>> -> memref<1x1x79x128xi32, #tpu.memory_space<hbm>>
      %dma_start3A_15 = tpu.memref_squeeze %dma_start3A_14 : memref<1x1x79x128xi32, #tpu.memory_space<hbm>> -> memref<79x128xi32, #tpu.memory_space<hbm>>
      %dma_start3A_16 = arith.constant 0 : i32
      %dma_start3A_17 = arith.constant 0 : i32
      %dma_start3A_18 = tpu.memref_slice %arg4[%arg0, %arg1, %dma_start3A_16, %dma_start3A_17] : memref<2x16x79x128xi32, #tpu.memory_space<hbm>> -> memref<1x1x79x128xi32, #tpu.memory_space<hbm>>
      %dma_start3A_19 = tpu.memref_squeeze %dma_start3A_18 : memref<1x1x79x128xi32, #tpu.memory_space<hbm>> -> memref<79x128xi32, #tpu.memory_space<hbm>>
      tpu.enqueue_dma source(%dma_start3A_19 : memref<79x128xi32, #tpu.memory_space<hbm>>) target(%arg8 : memref<79x128xi32, #tpu.memory_space<vmem>>) target_semaphore(%run_scoped3A : memref<!tpu.dma_semaphore, #tpu.memory_space<semaphore_mem>>)
      %dma_wait3A = arith.constant 0 : i32
      %dma_wait3A_20 = arith.constant 0 : i32
      %dma_wait3A_21 = tpu.memref_slice %arg4[%arg0, %arg1, %dma_wait3A, %dma_wait3A_20] : memref<2x16x79x128xi32, #tpu.memory_space<hbm>> -> memref<1x1x79x128xi32, #tpu.memory_space<hbm>>
      %dma_wait3A_22 = tpu.memref_squeeze %dma_wait3A_21 : memref<1x1x79x128xi32, #tpu.memory_space<hbm>> -> memref<79x128xi32, #tpu.memory_space<hbm>>
      %dma_wait3A_23 = arith.constant 0 : i32
      %dma_wait3A_24 = arith.constant 0 : i32
      %dma_wait3A_25 = tpu.memref_slice %arg4[%arg0, %arg1, %dma_wait3A_23, %dma_wait3A_24] : memref<2x16x79x128xi32, #tpu.memory_space<hbm>> -> memref<1x1x79x128xi32, #tpu.memory_space<hbm>>
      %dma_wait3A_26 = tpu.memref_squeeze %dma_wait3A_25 : memref<1x1x79x128xi32, #tpu.memory_space<hbm>> -> memref<79x128xi32, #tpu.memory_space<hbm>>
      tpu.wait_dma2 semaphore(%run_scoped3A : memref<!tpu.dma_semaphore, #tpu.memory_space<semaphore_mem>>) src(%dma_wait3A_26 : memref<79x128xi32, #tpu.memory_space<hbm>>) dst(%arg8 : memref<79x128xi32, #tpu.memory_space<vmem>>)
      tpu.yield
    }) : () -> ()
    %scan3A = arith.constant 0 : i32
    %scan3A_3 = arith.constant 0 : i32
    %scan3A_4 = arith.constant 79 : i32
    %scan3A_5 = arith.addi %scan3A_3, %scan3A_4 : i32
    %scan3A_6 = arith.constant 1 : i32
    scf.for %scan3A_13 = %scan3A_3 to %scan3A_5 step %scan3A_6  : i32 {
      %dma_start3A = arith.constant 0 : i32
      %dma_start3A_14 = tpu.memref_slice %arg7[%scan3A_13, %dma_start3A] : memref<79x128xi32, #tpu.memory_space<vmem>> -> memref<1x128xi32, #tpu.memory_space<vmem>>
      %dma_start3A_15 = tpu.memref_squeeze %dma_start3A_14 : memref<1x128xi32, #tpu.memory_space<vmem>> -> memref<128xi32, #tpu.memory_space<vmem>>
      %dma_start3A_16 = arith.constant 0 : i32
      %dma_start3A_17 = arith.constant 0 : i32
      %dma_start3A_18 = tpu.memref_slice %arg2[%dma_start3A_16, %dma_start3A_17] : memref<20000x128xf32, #tpu.memory_space<hbm>> -> memref<20000x128xf32, #tpu.memory_space<hbm>>
      tpu.enqueue_indirect_dma source(%dma_start3A_18 : memref<20000x128xf32, #tpu.memory_space<hbm>>) target(%arg9 : memref<128x128xf32, #tpu.memory_space<vmem>>) offsets(%dma_start3A_15 : memref<128xi32, #tpu.memory_space<vmem>>) semaphore(%arg11 : memref<!tpu.dma_semaphore, #tpu.memory_space<semaphore_mem>>)
      %dma_wait3A = arith.constant 0 : i32
      %dma_wait3A_19 = tpu.memref_slice %arg7[%scan3A_13, %dma_wait3A] : memref<79x128xi32, #tpu.memory_space<vmem>> -> memref<1x128xi32, #tpu.memory_space<vmem>>
      %dma_wait3A_20 = tpu.memref_squeeze %dma_wait3A_19 : memref<1x128xi32, #tpu.memory_space<vmem>> -> memref<128xi32, #tpu.memory_space<vmem>>
      %dma_wait3A_21 = arith.constant 0 : i32
      %dma_wait3A_22 = arith.constant 0 : i32
      %dma_wait3A_23 = tpu.memref_slice %arg2[%dma_wait3A_21, %dma_wait3A_22] : memref<20000x128xf32, #tpu.memory_space<hbm>> -> memref<20000x128xf32, #tpu.memory_space<hbm>>
      tpu.wait_indirect_dma semaphore(%arg11 : memref<!tpu.dma_semaphore, #tpu.memory_space<semaphore_mem>>) src(%dma_wait3A_23 : memref<20000x128xf32, #tpu.memory_space<hbm>>) dst(%arg9 : memref<128x128xf32, #tpu.memory_space<vmem>>)
      "tpu.region"() ({
        %run_scoped3A = tpu.sem_alloc : memref<!tpu.dma_semaphore, #tpu.memory_space<semaphore_mem>>
        %dma_start3A_24 = arith.constant 0 : i32
        %dma_start3A_25 = tpu.memref_slice %arg8[%scan3A_13, %dma_start3A_24] : memref<79x128xi32, #tpu.memory_space<vmem>> -> memref<1x128xi32, #tpu.memory_space<vmem>>
        %dma_start3A_26 = tpu.memref_squeeze %dma_start3A_25 : memref<1x128xi32, #tpu.memory_space<vmem>> -> memref<128xi32, #tpu.memory_space<vmem>>
        %dma_start3A_27 = arith.constant 0 : i32
        %dma_start3A_28 = arith.constant 0 : i32
        %dma_start3A_29 = tpu.memref_slice %arg10[%dma_start3A_27, %dma_start3A_28] : memref<10112x128xf32, #tpu.memory_space<vmem_shared>> -> memref<10112x128xf32, #tpu.memory_space<vmem_shared>>
        tpu.enqueue_indirect_dma source(%arg9 : memref<128x128xf32, #tpu.memory_space<vmem>>) target(%dma_start3A_29 : memref<10112x128xf32, #tpu.memory_space<vmem_shared>>) offsets(%dma_start3A_26 : memref<128xi32, #tpu.memory_space<vmem>>) semaphore(%run_scoped3A : memref<!tpu.dma_semaphore, #tpu.memory_space<semaphore_mem>>) {add = true}
        %dma_wait3A_30 = arith.constant 0 : i32
        %dma_wait3A_31 = tpu.memref_slice %arg8[%scan3A_13, %dma_wait3A_30] : memref<79x128xi32, #tpu.memory_space<vmem>> -> memref<1x128xi32, #tpu.memory_space<vmem>>
        %dma_wait3A_32 = tpu.memref_squeeze %dma_wait3A_31 : memref<1x128xi32, #tpu.memory_space<vmem>> -> memref<128xi32, #tpu.memory_space<vmem>>
        %dma_wait3A_33 = arith.constant 0 : i32
        %dma_wait3A_34 = arith.constant 0 : i32
        %dma_wait3A_35 = tpu.memref_slice %arg10[%dma_wait3A_33, %dma_wait3A_34] : memref<10112x128xf32, #tpu.memory_space<vmem_shared>> -> memref<10112x128xf32, #tpu.memory_space<vmem_shared>>
        tpu.wait_indirect_dma semaphore(%run_scoped3A : memref<!tpu.dma_semaphore, #tpu.memory_space<semaphore_mem>>) src(%arg9 : memref<128x128xf32, #tpu.memory_space<vmem>>) dst(%dma_wait3A_35 : memref<10112x128xf32, #tpu.memory_space<vmem_shared>>)
        tpu.yield
      }) : () -> ()
    }
    %scan3A_7 = arith.constant 79 : i32
    %barrier3A_8 = arith.constant 0 : index
    tpu.barrier barrier_id(%barrier3A_8)
    %mul3A_9 = arith.constant 632 : i32
    %mul3A_10 = arith.muli %arg1, %mul3A_9 : i32
    %mul3A_11 = arith.constant 632 : i32
    %mul3A_12 = arith.muli %arg1, %mul3A_11 : i32
    "tpu.region"() ({
      %run_scoped3A = tpu.sem_alloc : memref<!tpu.dma_semaphore, #tpu.memory_space<semaphore_mem>>
      %dma_start3A = arith.constant 0 : i32
      %dma_start3A_13 = tpu.memref_slice %arg6[%arg0, %mul3A_12, %dma_start3A] : memref<2x10112x128xf32, #tpu.memory_space<hbm>> -> memref<1x632x128xf32, #tpu.memory_space<hbm>>
      %dma_start3A_14 = tpu.memref_squeeze %dma_start3A_13 : memref<1x632x128xf32, #tpu.memory_space<hbm>> -> memref<632x128xf32, #tpu.memory_space<hbm>>
      %dma_start3A_15 = arith.constant 0 : i32
      %dma_start3A_16 = tpu.memref_slice %arg10[%mul3A_10, %dma_start3A_15] : memref<10112x128xf32, #tpu.memory_space<vmem_shared>> -> memref<632x128xf32, #tpu.memory_space<vmem_shared>>
      tpu.enqueue_dma source(%dma_start3A_16 : memref<632x128xf32, #tpu.memory_space<vmem_shared>>) target(%dma_start3A_14 : memref<632x128xf32, #tpu.memory_space<hbm>>) target_semaphore(%run_scoped3A : memref<!tpu.dma_semaphore, #tpu.memory_space<semaphore_mem>>)
      %dma_wait3A = arith.constant 0 : i32
      %dma_wait3A_17 = tpu.memref_slice %arg6[%arg0, %mul3A_12, %dma_wait3A] : memref<2x10112x128xf32, #tpu.memory_space<hbm>> -> memref<1x632x128xf32, #tpu.memory_space<hbm>>
      %dma_wait3A_18 = tpu.memref_squeeze %dma_wait3A_17 : memref<1x632x128xf32, #tpu.memory_space<hbm>> -> memref<632x128xf32, #tpu.memory_space<hbm>>
      %dma_wait3A_19 = arith.constant 0 : i32
      %dma_wait3A_20 = tpu.memref_slice %arg10[%mul3A_10, %dma_wait3A_19] : memref<10112x128xf32, #tpu.memory_space<vmem_shared>> -> memref<632x128xf32, #tpu.memory_space<vmem_shared>>
      tpu.wait_dma2 semaphore(%run_scoped3A : memref<!tpu.dma_semaphore, #tpu.memory_space<semaphore_mem>>) src(%dma_wait3A_20 : memref<632x128xf32, #tpu.memory_space<vmem_shared>>) dst(%dma_wait3A_18 : memref<632x128xf32, #tpu.memory_space<hbm>>)
      tpu.yield
    }) : () -> ()
    return
  }
}

module attributes {stable_mosaic.version = 14 : i64} {
  func.func @_mm1_body(%arg0: i32, %arg1: memref<1000x256xf32, #tpu.memory_space<vmem>>, %arg2: memref<256x512xf32, #tpu.memory_space<vmem>>, %arg3: memref<1000x2xf32, #tpu.memory_space<vmem>>, %arg4: memref<2x1000x128xf32, #tpu.memory_space<vmem>>, %arg5: memref<2x1000x128xf32, #tpu.memory_space<vmem>>) attributes {dimension_semantics = [#tpu.dimension_semantics<arbitrary>], iteration_bounds = array<i64: 10>, scalar_prefetch = 0 : i64, scratch_operands = 0 : i64, tpu.core_type = #tpu.core_type<tc>, window_params = [{transform_indices = @transform_0, window_bounds = array<i64: 1000, 256>}, {pipeline_mode = #tpu.pipeline_mode<synchronous>, transform_indices = @transform_1, window_bounds = array<i64: 256, 512>}, {transform_indices = @transform_2, window_bounds = array<i64: 1000, 2>}, {transform_indices = @transform_3, window_bounds = array<i64: 2, 1000, 128>}, {transform_indices = @transform_4, window_bounds = array<i64: 2, 1000, 128>}]} {
    %get3A = arith.constant 0 : index
    %get3A_0 = arith.constant 0 : index
    %get3A_1 = vector.load %arg1[%get3A, %get3A_0] : memref<1000x256xf32, #tpu.memory_space<vmem>>, vector<1000x256xf32>
    %get3A_2 = arith.constant 0 : index
    %get3A_3 = arith.constant 0 : index
    %get3A_4 = vector.load %arg2[%get3A_2, %get3A_3] : memref<256x512xf32, #tpu.memory_space<vmem>>, vector<256x512xf32>
    %dot_general3A = arith.constant dense<0.000000e+00> : vector<1000x512xf32>
    %dot_general3A_5 = tpu.matmul %get3A_1, %get3A_4, %dot_general3A {dimension_numbers = #tpu.dot_dimension_numbers<[1], [0], [0], [1], [0, 0, 1, 1], [], []>, transpose_lhs_hint = false} : vector<1000x256xf32>, vector<256x512xf32>, vector<1000x512xf32> -> vector<1000x512xf32>
    %get3A_6 = arith.constant 0 : index
    %get3A_7 = arith.constant 0 : index
    %get3A_8 = vector.load %arg3[%get3A_6, %get3A_7] : memref<1000x2xf32, #tpu.memory_space<vmem>>, vector<1000x2xf32>
    %add3A = arith.constant 1.000000e+00 : f32
    %add3A_9 = vector.broadcast %add3A : f32 to vector<1000x2xf32>
    %add3A_10 = arith.addf %get3A_8, %add3A_9 : vector<1000x2xf32>
    %rsqrt3A = math.rsqrt %add3A_10 : vector<1000x2xf32>
    %slice3A = vector.extract_strided_slice %rsqrt3A {offsets = [0, 0], sizes = [1000, 1], strides = [1, 1]} : vector<1000x2xf32> to vector<1000x1xf32>
    %slice3A_11 = vector.extract_strided_slice %rsqrt3A {offsets = [0, 1], sizes = [1000, 1], strides = [1, 1]} : vector<1000x2xf32> to vector<1000x1xf32>
    %slice3A_12 = vector.extract_strided_slice %dot_general3A_5 {offsets = [0, 0], sizes = [1000, 128], strides = [1, 1]} : vector<1000x512xf32> to vector<1000x128xf32>
    %mul3A = vector.broadcast %slice3A : vector<1000x1xf32> to vector<1000x128xf32>
    %mul3A_13 = arith.mulf %slice3A_12, %mul3A : vector<1000x128xf32>
    %swap3A = arith.constant 0 : index
    %swap3A_14 = arith.constant 0 : index
    %swap3A_15 = arith.constant 0 : index
    %swap3A_16 = vector.load %arg4[%swap3A, %swap3A_14, %swap3A_15] : memref<2x1000x128xf32, #tpu.memory_space<vmem>>, vector<1x1000x128xf32>
    %swap3A_17 = vector.shape_cast %swap3A_16 : vector<1x1000x128xf32> to vector<1000x128xf32>
    %swap3A_18 = vector.shape_cast %mul3A_13 : vector<1000x128xf32> to vector<1x1000x128xf32>
    tpu.vector_store %arg4[%swap3A, %swap3A_14, %swap3A_15], %swap3A_18 {strides = array<i32>} : memref<2x1000x128xf32, #tpu.memory_space<vmem>>, vector<1x1000x128xf32>,
    %slice3A_19 = vector.extract_strided_slice %dot_general3A_5 {offsets = [0, 128], sizes = [1000, 128], strides = [1, 1]} : vector<1000x512xf32> to vector<1000x128xf32>
    %mul3A_20 = vector.broadcast %slice3A : vector<1000x1xf32> to vector<1000x128xf32>
    %mul3A_21 = arith.mulf %slice3A_19, %mul3A_20 : vector<1000x128xf32>
    %swap3A_22 = arith.constant 1 : index
    %swap3A_23 = arith.constant 0 : index
    %swap3A_24 = arith.constant 0 : index
    %swap3A_25 = vector.load %arg4[%swap3A_22, %swap3A_23, %swap3A_24] : memref<2x1000x128xf32, #tpu.memory_space<vmem>>, vector<1x1000x128xf32>
    %swap3A_26 = vector.shape_cast %swap3A_25 : vector<1x1000x128xf32> to vector<1000x128xf32>
    %swap3A_27 = vector.shape_cast %mul3A_21 : vector<1000x128xf32> to vector<1x1000x128xf32>
    tpu.vector_store %arg4[%swap3A_22, %swap3A_23, %swap3A_24], %swap3A_27 {strides = array<i32>} : memref<2x1000x128xf32, #tpu.memory_space<vmem>>, vector<1x1000x128xf32>,
    %slice3A_28 = vector.extract_strided_slice %dot_general3A_5 {offsets = [0, 256], sizes = [1000, 128], strides = [1, 1]} : vector<1000x512xf32> to vector<1000x128xf32>
    %mul3A_29 = vector.broadcast %slice3A_11 : vector<1000x1xf32> to vector<1000x128xf32>
    %mul3A_30 = arith.mulf %slice3A_28, %mul3A_29 : vector<1000x128xf32>
    %swap3A_31 = arith.constant 0 : index
    %swap3A_32 = arith.constant 0 : index
    %swap3A_33 = arith.constant 0 : index
    %swap3A_34 = vector.load %arg5[%swap3A_31, %swap3A_32, %swap3A_33] : memref<2x1000x128xf32, #tpu.memory_space<vmem>>, vector<1x1000x128xf32>
    %swap3A_35 = vector.shape_cast %swap3A_34 : vector<1x1000x128xf32> to vector<1000x128xf32>
    %swap3A_36 = vector.shape_cast %mul3A_30 : vector<1000x128xf32> to vector<1x1000x128xf32>
    tpu.vector_store %arg5[%swap3A_31, %swap3A_32, %swap3A_33], %swap3A_36 {strides = array<i32>} : memref<2x1000x128xf32, #tpu.memory_space<vmem>>, vector<1x1000x128xf32>,
    %slice3A_37 = vector.extract_strided_slice %dot_general3A_5 {offsets = [0, 384], sizes = [1000, 128], strides = [1, 1]} : vector<1000x512xf32> to vector<1000x128xf32>
    %mul3A_38 = vector.broadcast %slice3A_11 : vector<1000x1xf32> to vector<1000x128xf32>
    %mul3A_39 = arith.mulf %slice3A_37, %mul3A_38 : vector<1000x128xf32>
    %swap3A_40 = arith.constant 1 : index
    %swap3A_41 = arith.constant 0 : index
    %swap3A_42 = arith.constant 0 : index
    %swap3A_43 = vector.load %arg5[%swap3A_40, %swap3A_41, %swap3A_42] : memref<2x1000x128xf32, #tpu.memory_space<vmem>>, vector<1x1000x128xf32>
    %swap3A_44 = vector.shape_cast %swap3A_43 : vector<1x1000x128xf32> to vector<1000x128xf32>
    %swap3A_45 = vector.shape_cast %mul3A_39 : vector<1000x128xf32> to vector<1x1000x128xf32>
    tpu.vector_store %arg5[%swap3A_40, %swap3A_41, %swap3A_42], %swap3A_45 {strides = array<i32>} : memref<2x1000x128xf32, #tpu.memory_space<vmem>>, vector<1x1000x128xf32>,
    return
  }
  func.func @transform_0(%arg0: i32) -> (i32, i32) {
    %c0_i32 = arith.constant 0 : i32
    %c0_i32_0 = arith.constant 0 : i32
    return %arg0, %c0_i32 : i32, i32
  }
  func.func @transform_1(%arg0: i32) -> (i32, i32) {
    %c0_i32 = arith.constant 0 : i32
    %c0_i32_0 = arith.constant 0 : i32
    %c0_i32_1 = arith.constant 0 : i32
    return %c0_i32, %c0_i32_0 : i32, i32
  }
  func.func @transform_2(%arg0: i32) -> (i32, i32) {
    %c0_i32 = arith.constant 0 : i32
    %c0_i32_0 = arith.constant 0 : i32
    return %arg0, %c0_i32 : i32, i32
  }
  func.func @transform_3(%arg0: i32) -> (i32, i32, i32) {
    %c0_i32 = arith.constant 0 : i32
    %c0_i32_0 = arith.constant 0 : i32
    %c0_i32_1 = arith.constant 0 : i32
    return %c0_i32, %arg0, %c0_i32_0 : i32, i32, i32
  }
  func.func @transform_4(%arg0: i32) -> (i32, i32, i32) {
    %c0_i32 = arith.constant 0 : i32
    %c0_i32_0 = arith.constant 0 : i32
    %c0_i32_1 = arith.constant 0 : i32
    return %c0_i32, %arg0, %c0_i32_0 : i32, i32, i32
  }
}

module attributes {stable_mosaic.version = 14 : i64} {
  func.func @_mid_body(%arg0: i32, %arg1: memref<2x2x1000x128xf32, #tpu.memory_space<vmem>>, %arg2: memref<2x1000x128xf32, #tpu.memory_space<vmem>>, %arg3: memref<2x1000x128xf32, #tpu.memory_space<vmem>>, %arg4: memref<1000x2xf32, #tpu.memory_space<vmem>>, %arg5: memref<256x256xf32, #tpu.memory_space<vmem>>, %arg6: memref<2x256xf32, #tpu.memory_space<vmem>>, %arg7: memref<2x1000x128xf32, #tpu.memory_space<vmem>>) attributes {dimension_semantics = [#tpu.dimension_semantics<arbitrary>], iteration_bounds = array<i64: 10>, scalar_prefetch = 0 : i64, scratch_operands = 0 : i64, tpu.core_type = #tpu.core_type<tc>, window_params = [{transform_indices = @transform_0, window_bounds = array<i64: 2, 2, 1000, 128>}, {transform_indices = @transform_1, window_bounds = array<i64: 2, 1000, 128>}, {transform_indices = @transform_2, window_bounds = array<i64: 2, 1000, 128>}, {transform_indices = @transform_3, window_bounds = array<i64: 1000, 2>}, {pipeline_mode = #tpu.pipeline_mode<synchronous>, transform_indices = @transform_4, window_bounds = array<i64: 256, 256>}, {pipeline_mode = #tpu.pipeline_mode<synchronous>, transform_indices = @transform_5, window_bounds = array<i64: 2, 256>}, {transform_indices = @transform_6, window_bounds = array<i64: 2, 1000, 128>}]} {
    %get3A = arith.constant 0 : index
    %get3A_0 = arith.constant 0 : index
    %get3A_1 = vector.load %arg4[%get3A, %get3A_0] : memref<1000x2xf32, #tpu.memory_space<vmem>>, vector<1000x2xf32>
    %add3A = arith.constant 1.000000e+00 : f32
    %add3A_2 = vector.broadcast %add3A : f32 to vector<1000x2xf32>
    %add3A_3 = arith.addf %get3A_1, %add3A_2 : vector<1000x2xf32>
    %rsqrt3A = math.rsqrt %add3A_3 : vector<1000x2xf32>
    %slice3A = vector.extract_strided_slice %rsqrt3A {offsets = [0, 0], sizes = [1000, 1], strides = [1, 1]} : vector<1000x2xf32> to vector<1000x1xf32>
    %get3A_4 = arith.constant 0 : index
    %get3A_5 = arith.constant 0 : index
    %get3A_6 = arith.constant 0 : index
    %get3A_7 = arith.constant 0 : index
    %get3A_8 = vector.load %arg1[%get3A_4, %get3A_5, %get3A_6, %get3A_7] : memref<2x2x1000x128xf32, #tpu.memory_space<vmem>>, vector<1x1x1000x128xf32>
    %get3A_9 = vector.shape_cast %get3A_8 : vector<1x1x1000x128xf32> to vector<1000x128xf32>
    %get3A_10 = arith.constant 0 : index
    %get3A_11 = arith.constant 0 : index
    %get3A_12 = arith.constant 0 : index
    %get3A_13 = vector.load %arg2[%get3A_10, %get3A_11, %get3A_12] : memref<2x1000x128xf32, #tpu.memory_space<vmem>>, vector<1x1000x128xf32>
    %get3A_14 = vector.shape_cast %get3A_13 : vector<1x1000x128xf32> to vector<1000x128xf32>
    %add3A_15 = arith.addf %get3A_9, %get3A_14 : vector<1000x128xf32>
    %mul3A = vector.broadcast %slice3A : vector<1000x1xf32> to vector<1000x128xf32>
    %mul3A_16 = arith.mulf %mul3A, %add3A_15 : vector<1000x128xf32>
    %get3A_17 = arith.constant 0 : index
    %get3A_18 = arith.constant 0 : index
    %get3A_19 = vector.load %arg6[%get3A_17, %get3A_18] : memref<2x256xf32, #tpu.memory_space<vmem>>, vector<1x128xf32>
    %get3A_20 = vector.shape_cast %get3A_19 : vector<1x128xf32> to vector<128xf32>
    %broadcast_in_dim3A = vector.shape_cast %get3A_20 : vector<128xf32> to vector<1x128xf32>
    %add3A_21 = vector.broadcast %broadcast_in_dim3A : vector<1x128xf32> to vector<1000x128xf32>
    %add3A_22 = arith.addf %mul3A_16, %add3A_21 : vector<1000x128xf32>
    %max3A = arith.constant 0.000000e+00 : f32
    %max3A_23 = vector.broadcast %max3A : f32 to vector<1000x128xf32>
    %max3A_24 = arith.maximumf %add3A_22, %max3A_23 : vector<1000x128xf32>
    %get3A_25 = arith.constant 0 : index
    %get3A_26 = arith.constant 1 : index
    %get3A_27 = arith.constant 0 : index
    %get3A_28 = arith.constant 0 : index
    %get3A_29 = vector.load %arg1[%get3A_25, %get3A_26, %get3A_27, %get3A_28] : memref<2x2x1000x128xf32, #tpu.memory_space<vmem>>, vector<1x1x1000x128xf32>
    %get3A_30 = vector.shape_cast %get3A_29 : vector<1x1x1000x128xf32> to vector<1000x128xf32>
    %get3A_31 = arith.constant 1 : index
    %get3A_32 = arith.constant 0 : index
    %get3A_33 = arith.constant 0 : index
    %get3A_34 = vector.load %arg2[%get3A_31, %get3A_32, %get3A_33] : memref<2x1000x128xf32, #tpu.memory_space<vmem>>, vector<1x1000x128xf32>
    %get3A_35 = vector.shape_cast %get3A_34 : vector<1x1000x128xf32> to vector<1000x128xf32>
    %add3A_36 = arith.addf %get3A_30, %get3A_35 : vector<1000x128xf32>
    %mul3A_37 = vector.broadcast %slice3A : vector<1000x1xf32> to vector<1000x128xf32>
    %mul3A_38 = arith.mulf %mul3A_37, %add3A_36 : vector<1000x128xf32>
    %get3A_39 = arith.constant 0 : index
    %get3A_40 = arith.constant 128 : index
    %get3A_41 = vector.load %arg6[%get3A_39, %get3A_40] : memref<2x256xf32, #tpu.memory_space<vmem>>, vector<1x128xf32>
    %get3A_42 = vector.shape_cast %get3A_41 : vector<1x128xf32> to vector<128xf32>
    %broadcast_in_dim3A_43 = vector.shape_cast %get3A_42 : vector<128xf32> to vector<1x128xf32>
    %add3A_44 = vector.broadcast %broadcast_in_dim3A_43 : vector<1x128xf32> to vector<1000x128xf32>
    %add3A_45 = arith.addf %mul3A_38, %add3A_44 : vector<1000x128xf32>
    %max3A_46 = arith.constant 0.000000e+00 : f32
    %max3A_47 = vector.broadcast %max3A_46 : f32 to vector<1000x128xf32>
    %max3A_48 = arith.maximumf %add3A_45, %max3A_47 : vector<1000x128xf32>
    %get3A_49 = arith.constant 0 : index
    %get3A_50 = arith.constant 0 : index
    %get3A_51 = vector.load %arg5[%get3A_49, %get3A_50] : memref<256x256xf32, #tpu.memory_space<vmem>>, vector<256x128xf32>
    %slice3A_52 = vector.extract_strided_slice %get3A_51 {offsets = [0, 0], sizes = [128, 128], strides = [1, 1]} : vector<256x128xf32> to vector<128x128xf32>
    %dot_general3A = arith.constant dense<0.000000e+00> : vector<1000x128xf32>
    %dot_general3A_53 = tpu.matmul %max3A_24, %slice3A_52, %dot_general3A {dimension_numbers = #tpu.dot_dimension_numbers<[1], [0], [0], [1], [0, 0, 1, 1], [], []>, transpose_lhs_hint = false} : vector<1000x128xf32>, vector<128x128xf32>, vector<1000x128xf32> -> vector<1000x128xf32>
    %slice3A_54 = vector.extract_strided_slice %get3A_51 {offsets = [128, 0], sizes = [128, 128], strides = [1, 1]} : vector<256x128xf32> to vector<128x128xf32>
    %dot_general3A_55 = arith.constant dense<0.000000e+00> : vector<1000x128xf32>
    %dot_general3A_56 = tpu.matmul %max3A_48, %slice3A_54, %dot_general3A_55 {dimension_numbers = #tpu.dot_dimension_numbers<[1], [0], [0], [1], [0, 0, 1, 1], [], []>, transpose_lhs_hint = false} : vector<1000x128xf32>, vector<128x128xf32>, vector<1000x128xf32> -> vector<1000x128xf32>
    %add3A_57 = arith.addf %dot_general3A_53, %dot_general3A_56 : vector<1000x128xf32>
    %mul3A_58 = vector.broadcast %slice3A : vector<1000x1xf32> to vector<1000x128xf32>
    %mul3A_59 = arith.mulf %add3A_57, %mul3A_58 : vector<1000x128xf32>
    %swap3A = arith.constant 0 : index
    %swap3A_60 = arith.constant 0 : index
    %swap3A_61 = arith.constant 0 : index
    %swap3A_62 = vector.load %arg7[%swap3A, %swap3A_60, %swap3A_61] : memref<2x1000x128xf32, #tpu.memory_space<vmem>>, vector<1x1000x128xf32>
    %swap3A_63 = vector.shape_cast %swap3A_62 : vector<1x1000x128xf32> to vector<1000x128xf32>
    %swap3A_64 = vector.shape_cast %mul3A_59 : vector<1000x128xf32> to vector<1x1000x128xf32>
    tpu.vector_store %arg7[%swap3A, %swap3A_60, %swap3A_61], %swap3A_64 {strides = array<i32>} : memref<2x1000x128xf32, #tpu.memory_space<vmem>>, vector<1x1000x128xf32>,
    %slice3A_65 = vector.extract_strided_slice %rsqrt3A {offsets = [0, 1], sizes = [1000, 1], strides = [1, 1]} : vector<1000x2xf32> to vector<1000x1xf32>
    %get3A_66 = arith.constant 1 : index
    %get3A_67 = arith.constant 0 : index
    %get3A_68 = arith.constant 0 : index
    %get3A_69 = arith.constant 0 : index
    %get3A_70 = vector.load %arg1[%get3A_66, %get3A_67, %get3A_68, %get3A_69] : memref<2x2x1000x128xf32, #tpu.memory_space<vmem>>, vector<1x1x1000x128xf32>
    %get3A_71 = vector.shape_cast %get3A_70 : vector<1x1x1000x128xf32> to vector<1000x128xf32>
    %get3A_72 = arith.constant 0 : index
    %get3A_73 = arith.constant 0 : index
    %get3A_74 = arith.constant 0 : index
    %get3A_75 = vector.load %arg3[%get3A_72, %get3A_73, %get3A_74] : memref<2x1000x128xf32, #tpu.memory_space<vmem>>, vector<1x1000x128xf32>
    %get3A_76 = vector.shape_cast %get3A_75 : vector<1x1000x128xf32> to vector<1000x128xf32>
    %add3A_77 = arith.addf %get3A_71, %get3A_76 : vector<1000x128xf32>
    %mul3A_78 = vector.broadcast %slice3A_65 : vector<1000x1xf32> to vector<1000x128xf32>
    %mul3A_79 = arith.mulf %mul3A_78, %add3A_77 : vector<1000x128xf32>
    %get3A_80 = arith.constant 1 : index
    %get3A_81 = arith.constant 0 : index
    %get3A_82 = vector.load %arg6[%get3A_80, %get3A_81] : memref<2x256xf32, #tpu.memory_space<vmem>>, vector<1x128xf32>
    %get3A_83 = vector.shape_cast %get3A_82 : vector<1x128xf32> to vector<128xf32>
    %broadcast_in_dim3A_84 = vector.shape_cast %get3A_83 : vector<128xf32> to vector<1x128xf32>
    %add3A_85 = vector.broadcast %broadcast_in_dim3A_84 : vector<1x128xf32> to vector<1000x128xf32>
    %add3A_86 = arith.addf %mul3A_79, %add3A_85 : vector<1000x128xf32>
    %max3A_87 = arith.constant 0.000000e+00 : f32
    %max3A_88 = vector.broadcast %max3A_87 : f32 to vector<1000x128xf32>
    %max3A_89 = arith.maximumf %add3A_86, %max3A_88 : vector<1000x128xf32>
    %get3A_90 = arith.constant 1 : index
    %get3A_91 = arith.constant 1 : index
    %get3A_92 = arith.constant 0 : index
    %get3A_93 = arith.constant 0 : index
    %get3A_94 = vector.load %arg1[%get3A_90, %get3A_91, %get3A_92, %get3A_93] : memref<2x2x1000x128xf32, #tpu.memory_space<vmem>>, vector<1x1x1000x128xf32>
    %get3A_95 = vector.shape_cast %get3A_94 : vector<1x1x1000x128xf32> to vector<1000x128xf32>
    %get3A_96 = arith.constant 1 : index
    %get3A_97 = arith.constant 0 : index
    %get3A_98 = arith.constant 0 : index
    %get3A_99 = vector.load %arg3[%get3A_96, %get3A_97, %get3A_98] : memref<2x1000x128xf32, #tpu.memory_space<vmem>>, vector<1x1000x128xf32>
    %get3A_100 = vector.shape_cast %get3A_99 : vector<1x1000x128xf32> to vector<1000x128xf32>
    %add3A_101 = arith.addf %get3A_95, %get3A_100 : vector<1000x128xf32>
    %mul3A_102 = vector.broadcast %slice3A_65 : vector<1000x1xf32> to vector<1000x128xf32>
    %mul3A_103 = arith.mulf %mul3A_102, %add3A_101 : vector<1000x128xf32>
    %get3A_104 = arith.constant 1 : index
    %get3A_105 = arith.constant 128 : index
    %get3A_106 = vector.load %arg6[%get3A_104, %get3A_105] : memref<2x256xf32, #tpu.memory_space<vmem>>, vector<1x128xf32>
    %get3A_107 = vector.shape_cast %get3A_106 : vector<1x128xf32> to vector<128xf32>
    %broadcast_in_dim3A_108 = vector.shape_cast %get3A_107 : vector<128xf32> to vector<1x128xf32>
    %add3A_109 = vector.broadcast %broadcast_in_dim3A_108 : vector<1x128xf32> to vector<1000x128xf32>
    %add3A_110 = arith.addf %mul3A_103, %add3A_109 : vector<1000x128xf32>
    %max3A_111 = arith.constant 0.000000e+00 : f32
    %max3A_112 = vector.broadcast %max3A_111 : f32 to vector<1000x128xf32>
    %max3A_113 = arith.maximumf %add3A_110, %max3A_112 : vector<1000x128xf32>
    %get3A_114 = arith.constant 0 : index
    %get3A_115 = arith.constant 128 : index
    %get3A_116 = vector.load %arg5[%get3A_114, %get3A_115] : memref<256x256xf32, #tpu.memory_space<vmem>>, vector<256x128xf32>
    %slice3A_117 = vector.extract_strided_slice %get3A_116 {offsets = [0, 0], sizes = [128, 128], strides = [1, 1]} : vector<256x128xf32> to vector<128x128xf32>
    %dot_general3A_118 = arith.constant dense<0.000000e+00> : vector<1000x128xf32>
    %dot_general3A_119 = tpu.matmul %max3A_89, %slice3A_117, %dot_general3A_118 {dimension_numbers = #tpu.dot_dimension_numbers<[1], [0], [0], [1], [0, 0, 1, 1], [], []>, transpose_lhs_hint = false} : vector<1000x128xf32>, vector<128x128xf32>, vector<1000x128xf32> -> vector<1000x128xf32>
    %slice3A_120 = vector.extract_strided_slice %get3A_116 {offsets = [128, 0], sizes = [128, 128], strides = [1, 1]} : vector<256x128xf32> to vector<128x128xf32>
    %dot_general3A_121 = arith.constant dense<0.000000e+00> : vector<1000x128xf32>
    %dot_general3A_122 = tpu.matmul %max3A_113, %slice3A_120, %dot_general3A_121 {dimension_numbers = #tpu.dot_dimension_numbers<[1], [0], [0], [1], [0, 0, 1, 1], [], []>, transpose_lhs_hint = false} : vector<1000x128xf32>, vector<128x128xf32>, vector<1000x128xf32> -> vector<1000x128xf32>
    %add3A_123 = arith.addf %dot_general3A_119, %dot_general3A_122 : vector<1000x128xf32>
    %mul3A_124 = vector.broadcast %slice3A_65 : vector<1000x1xf32> to vector<1000x128xf32>
    %mul3A_125 = arith.mulf %add3A_123, %mul3A_124 : vector<1000x128xf32>
    %swap3A_126 = arith.constant 1 : index
    %swap3A_127 = arith.constant 0 : index
    %swap3A_128 = arith.constant 0 : index
    %swap3A_129 = vector.load %arg7[%swap3A_126, %swap3A_127, %swap3A_128] : memref<2x1000x128xf32, #tpu.memory_space<vmem>>, vector<1x1000x128xf32>
    %swap3A_130 = vector.shape_cast %swap3A_129 : vector<1x1000x128xf32> to vector<1000x128xf32>
    %swap3A_131 = vector.shape_cast %mul3A_125 : vector<1000x128xf32> to vector<1x1000x128xf32>
    tpu.vector_store %arg7[%swap3A_126, %swap3A_127, %swap3A_128], %swap3A_131 {strides = array<i32>} : memref<2x1000x128xf32, #tpu.memory_space<vmem>>, vector<1x1000x128xf32>,
    return
  }
  func.func @transform_0(%arg0: i32) -> (i32, i32, i32, i32) {
    %c0_i32 = arith.constant 0 : i32
    %c0_i32_0 = arith.constant 0 : i32
    %c0_i32_1 = arith.constant 0 : i32
    %c0_i32_2 = arith.constant 0 : i32
    return %c0_i32, %c0_i32_0, %arg0, %c0_i32_1 : i32, i32, i32, i32
  }
  func.func @transform_1(%arg0: i32) -> (i32, i32, i32) {
    %c0_i32 = arith.constant 0 : i32
    %c0_i32_0 = arith.constant 0 : i32
    %c0_i32_1 = arith.constant 0 : i32
    return %c0_i32, %arg0, %c0_i32_0 : i32, i32, i32
  }
  func.func @transform_2(%arg0: i32) -> (i32, i32, i32) {
    %c0_i32 = arith.constant 0 : i32
    %c0_i32_0 = arith.constant 0 : i32
    %c0_i32_1 = arith.constant 0 : i32
    return %c0_i32, %arg0, %c0_i32_0 : i32, i32, i32
  }
  func.func @transform_3(%arg0: i32) -> (i32, i32) {
    %c0_i32 = arith.constant 0 : i32
    %c0_i32_0 = arith.constant 0 : i32
    return %arg0, %c0_i32 : i32, i32
  }
  func.func @transform_4(%arg0: i32) -> (i32, i32) {
    %c0_i32 = arith.constant 0 : i32
    %c0_i32_0 = arith.constant 0 : i32
    %c0_i32_1 = arith.constant 0 : i32
    return %c0_i32, %c0_i32_0 : i32, i32
  }
  func.func @transform_5(%arg0: i32) -> (i32, i32) {
    %c0_i32 = arith.constant 0 : i32
    %c0_i32_0 = arith.constant 0 : i32
    %c0_i32_1 = arith.constant 0 : i32
    return %c0_i32, %c0_i32_0 : i32, i32
  }
  func.func @transform_6(%arg0: i32) -> (i32, i32, i32) {
    %c0_i32 = arith.constant 0 : i32
    %c0_i32_0 = arith.constant 0 : i32
    %c0_i32_1 = arith.constant 0 : i32
    return %c0_i32, %arg0, %c0_i32_0 : i32, i32, i32
  }
}

module attributes {stable_mosaic.version = 14 : i64} {
  func.func @_fin_body(%arg0: i32, %arg1: memref<2x1000x128xf32, #tpu.memory_space<vmem>>, %arg2: memref<2x1000x128xf32, #tpu.memory_space<vmem>>, %arg3: memref<1000x2xf32, #tpu.memory_space<vmem>>, %arg4: memref<2x128xf32, #tpu.memory_space<vmem>>, %arg5: memref<1000x256xf32, #tpu.memory_space<vmem>>) attributes {dimension_semantics = [#tpu.dimension_semantics<arbitrary>], iteration_bounds = array<i64: 10>, scalar_prefetch = 0 : i64, scratch_operands = 0 : i64, tpu.core_type = #tpu.core_type<tc>, window_params = [{transform_indices = @transform_0, window_bounds = array<i64: 2, 1000, 128>}, {transform_indices = @transform_1, window_bounds = array<i64: 2, 1000, 128>}, {transform_indices = @transform_2, window_bounds = array<i64: 1000, 2>}, {pipeline_mode = #tpu.pipeline_mode<synchronous>, transform_indices = @transform_3, window_bounds = array<i64: 2, 128>}, {transform_indices = @transform_4, window_bounds = array<i64: 1000, 256>}]} {
    %get3A = arith.constant 0 : index
    %get3A_0 = arith.constant 0 : index
    %get3A_1 = vector.load %arg3[%get3A, %get3A_0] : memref<1000x2xf32, #tpu.memory_space<vmem>>, vector<1000x2xf32>
    %add3A = arith.constant 1.000000e+00 : f32
    %add3A_2 = vector.broadcast %add3A : f32 to vector<1000x2xf32>
    %add3A_3 = arith.addf %get3A_1, %add3A_2 : vector<1000x2xf32>
    %rsqrt3A = math.rsqrt %add3A_3 : vector<1000x2xf32>
    %slice3A = vector.extract_strided_slice %rsqrt3A {offsets = [0, 0], sizes = [1000, 1], strides = [1, 1]} : vector<1000x2xf32> to vector<1000x1xf32>
    %get3A_4 = arith.constant 0 : index
    %get3A_5 = arith.constant 0 : index
    %get3A_6 = arith.constant 0 : index
    %get3A_7 = vector.load %arg1[%get3A_4, %get3A_5, %get3A_6] : memref<2x1000x128xf32, #tpu.memory_space<vmem>>, vector<1x1000x128xf32>
    %get3A_8 = vector.shape_cast %get3A_7 : vector<1x1000x128xf32> to vector<1000x128xf32>
    %get3A_9 = arith.constant 0 : index
    %get3A_10 = arith.constant 0 : index
    %get3A_11 = arith.constant 0 : index
    %get3A_12 = vector.load %arg2[%get3A_9, %get3A_10, %get3A_11] : memref<2x1000x128xf32, #tpu.memory_space<vmem>>, vector<1x1000x128xf32>
    %get3A_13 = vector.shape_cast %get3A_12 : vector<1x1000x128xf32> to vector<1000x128xf32>
    %add3A_14 = arith.addf %get3A_8, %get3A_13 : vector<1000x128xf32>
    %mul3A = vector.broadcast %slice3A : vector<1000x1xf32> to vector<1000x128xf32>
    %mul3A_15 = arith.mulf %mul3A, %add3A_14 : vector<1000x128xf32>
    %get3A_16 = arith.constant 0 : index
    %get3A_17 = arith.constant 0 : index
    %get3A_18 = vector.load %arg4[%get3A_16, %get3A_17] : memref<2x128xf32, #tpu.memory_space<vmem>>, vector<1x128xf32>
    %get3A_19 = vector.shape_cast %get3A_18 : vector<1x128xf32> to vector<128xf32>
    %broadcast_in_dim3A = vector.shape_cast %get3A_19 : vector<128xf32> to vector<1x128xf32>
    %add3A_20 = vector.broadcast %broadcast_in_dim3A : vector<1x128xf32> to vector<1000x128xf32>
    %add3A_21 = arith.addf %mul3A_15, %add3A_20 : vector<1000x128xf32>
    %swap3A = arith.constant 0 : index
    %swap3A_22 = arith.constant 0 : index
    %swap3A_23 = vector.load %arg5[%swap3A, %swap3A_22] : memref<1000x256xf32, #tpu.memory_space<vmem>>, vector<1000x128xf32>
    tpu.vector_store %arg5[%swap3A, %swap3A_22], %add3A_21 {strides = array<i32>} : memref<1000x256xf32, #tpu.memory_space<vmem>>, vector<1000x128xf32>,
    %slice3A_24 = vector.extract_strided_slice %rsqrt3A {offsets = [0, 1], sizes = [1000, 1], strides = [1, 1]} : vector<1000x2xf32> to vector<1000x1xf32>
    %get3A_25 = arith.constant 1 : index
    %get3A_26 = arith.constant 0 : index
    %get3A_27 = arith.constant 0 : index
    %get3A_28 = vector.load %arg1[%get3A_25, %get3A_26, %get3A_27] : memref<2x1000x128xf32, #tpu.memory_space<vmem>>, vector<1x1000x128xf32>
    %get3A_29 = vector.shape_cast %get3A_28 : vector<1x1000x128xf32> to vector<1000x128xf32>
    %get3A_30 = arith.constant 1 : index
    %get3A_31 = arith.constant 0 : index
    %get3A_32 = arith.constant 0 : index
    %get3A_33 = vector.load %arg2[%get3A_30, %get3A_31, %get3A_32] : memref<2x1000x128xf32, #tpu.memory_space<vmem>>, vector<1x1000x128xf32>
    %get3A_34 = vector.shape_cast %get3A_33 : vector<1x1000x128xf32> to vector<1000x128xf32>
    %add3A_35 = arith.addf %get3A_29, %get3A_34 : vector<1000x128xf32>
    %mul3A_36 = vector.broadcast %slice3A_24 : vector<1000x1xf32> to vector<1000x128xf32>
    %mul3A_37 = arith.mulf %mul3A_36, %add3A_35 : vector<1000x128xf32>
    %get3A_38 = arith.constant 1 : index
    %get3A_39 = arith.constant 0 : index
    %get3A_40 = vector.load %arg4[%get3A_38, %get3A_39] : memref<2x128xf32, #tpu.memory_space<vmem>>, vector<1x128xf32>
    %get3A_41 = vector.shape_cast %get3A_40 : vector<1x128xf32> to vector<128xf32>
    %broadcast_in_dim3A_42 = vector.shape_cast %get3A_41 : vector<128xf32> to vector<1x128xf32>
    %add3A_43 = vector.broadcast %broadcast_in_dim3A_42 : vector<1x128xf32> to vector<1000x128xf32>
    %add3A_44 = arith.addf %mul3A_37, %add3A_43 : vector<1000x128xf32>
    %swap3A_45 = arith.constant 0 : index
    %swap3A_46 = arith.constant 128 : index
    %swap3A_47 = vector.load %arg5[%swap3A_45, %swap3A_46] : memref<1000x256xf32, #tpu.memory_space<vmem>>, vector<1000x128xf32>
    tpu.vector_store %arg5[%swap3A_45, %swap3A_46], %add3A_44 {strides = array<i32>} : memref<1000x256xf32, #tpu.memory_space<vmem>>, vector<1000x128xf32>,
    return
  }
  func.func @transform_0(%arg0: i32) -> (i32, i32, i32) {
    %c0_i32 = arith.constant 0 : i32
    %c0_i32_0 = arith.constant 0 : i32
    %c0_i32_1 = arith.constant 0 : i32
    return %c0_i32, %arg0, %c0_i32_0 : i32, i32, i32
  }
  func.func @transform_1(%arg0: i32) -> (i32, i32, i32) {
    %c0_i32 = arith.constant 0 : i32
    %c0_i32_0 = arith.constant 0 : i32
    %c0_i32_1 = arith.constant 0 : i32
    return %c0_i32, %arg0, %c0_i32_0 : i32, i32, i32
  }
  func.func @transform_2(%arg0: i32) -> (i32, i32) {
    %c0_i32 = arith.constant 0 : i32
    %c0_i32_0 = arith.constant 0 : i32
    return %arg0, %c0_i32 : i32, i32
  }
  func.func @transform_3(%arg0: i32) -> (i32, i32) {
    %c0_i32 = arith.constant 0 : i32
    %c0_i32_0 = arith.constant 0 : i32
    %c0_i32_1 = arith.constant 0 : i32
    return %c0_i32, %c0_i32_0 : i32, i32
  }
  func.func @transform_4(%arg0: i32) -> (i32, i32) {
    %c0_i32 = arith.constant 0 : i32
    %c0_i32_0 = arith.constant 0 : i32
    return %arg0, %c0_i32 : i32, i32
  }
}

</mosaic_0001>

<sc_bundles>
// kernel: kernel.11.cloned.1.call-start
scs
__scs_entry_jumppad:
0x0: {  	(pc) =	sbr.rel $0x88, $3  }
0x1: {  	(tag) =	ssettag $0x0;
	lr =	simm.s32 $0x1  }
0x2: {  	[smem:$0x3F96] =	sst lr;
	_ =	strace $0xD0000000  }
0x3: {  	_ = 	snop  }
0x4: {  	_ = 	snop  }
0x5: {  	_ = 	snop  }
0x6: {  	_ = 	snop  }
0x7: {  	_ = 	snop  }
__scs_overlays_trampoline_lowered:
0x8: {  	[smem:$0x3FA5] =	sst s0  }
0x9: {  	[smem:$0x3FA6] =	sst s1  }
0xa: {  	[smem:$0x3FA7] =	sst s2  }
0xb: {  	[smem:$0x3FA8] =	sst s3  }
0xc: {  	[smem:$0x3FA9] =	sst s4  }
0xd: {  	[smem:$0x3FAA] =	sst s5  }
0xe: {  	[smem:$0x3FAB] =	sst s6  }
0xf: {  	[smem:$0x3FAC] =	sst s7  }
0x10: {  	[smem:$0x3FAD] =	sst s8  }
0x11: {  	[smem:$0x3FAE] =	sst s9;
	s0 =	simm.s32 @!p0 $0x0  }
0x12: {  	s1 =	sld [smem:$0x3F94];
	s0 =	simm.s32 @p0 $0x1  }
0x13: {  	[smem:$0x3FAF] =	sst s0;
	s0 =	simm.s32 @!p1 $0x0  }
0x14: {  	s2 =	sld [smem:$0x3F93];
	s0 =	simm.s32 @p1 $0x1  }
0x15: {  	[smem:$0x3FB0] =	sst s0;
	s0 =	simm.s32 @!p2 $0x0  }
0x16: {  	s3 =	sld [smem:$0x3FDB];
	s0 =	simm.s32 @p2 $0x1  }
0x17: {  	s4 =	simm.s32 $0x1BF5;
	[smem:$0x3FB2] =	sst s0  }
0x18: {  	s0 =	sld [smem:$0x3F95];
	_ =	swait.ge [sflag:s4], $0x0  }
0x19: {  	s7 =	sld [smem:$0x3F96]  }
0x1a: {  	s8 =	sadd.s32 $0xFFFFE003, lr  }
0x1b: {  	s9 =	sadd.s32 $0xFFFFFEF7, lr;
	s5 =	simm.s32 $0xFFFFFFFF;
	p2 =	slt.u32 s8, $0xFFFFF086  }
0x1c: {  	p1 =	slt.u32 s9, $0xF7A;
	s5 =	simm.s32 @!p2 $0x0  }
0x1d: {  	s5 =	simm.s32 @p1 $0x1;
	p0 =	seq.s32 s7, s2  }
0x1e: {  	s7 =	smul.u32 @!p0 $0xF7A, s2;
	p2 =	seq.s32 @!p0 s5, $0x0  }
0x1f: {  	s9 =	smul.u32 $0xF7A, s1;
	s8 =	simm.s32 @!p0 $0x1BF5;
	p2 =	por !p2, p0  }
0x20: {  	[sflag:s8] =	ssyncset.s32 @!p0 $0xFFFFF086;
	s6 =	sadd.s32 @!p0 s3, s7;
	s7 =	simm.s32 @!p0 $0x108  }
0x21: {  	s3 =	sadd.s32 s3, s9;
	s6 =	sadd.s32 @!p0 $0x88, s6;
	s7 =	simm.s32 @p2 $0x1082  }
0x22: {  	[simem:s7], [sflag:s8] =	dma.local @!p0 [hbm:s6], $0xF7A  }
0x23: {  	s9 =	sor.u32 $0xD0000000, s2;
	s6 =	simm.s32 $0x108;
	_ =	swait.ge @!p0 [sflag:s8], $0x0  }
0x24: {  	s3 =	sadd.s32 $0x88, s3;
	s6 =	simm.s32 @!p1 $0x1082;
	[sflag:s4] =	ssyncset.s32 $0xFFFFF086  }
0x25: {  	[simem:s6], [sflag:s4] =	dma.local [hbm:s3], $0xF7A  }
0x26: {  	[smem:$0x3F96] =	sst s1;
	(tag) =	ssettag s2;
	_ =	strace s9  }
0x27: {  	s1 =	sld [smem:$0x3FA6]  }
0x28: {  	s2 =	sld [smem:$0x3FA7]  }
0x29: {  	s4 =	sld [smem:$0x3FA9]  }
0x2a: {  	p0 =	seq.s32 s5, $0x0;
	s5 =	sld [smem:$0x3FAA]  }
0x2b: {  	s6 =	sld [smem:$0x3FAB]  }
0x2c: {  	s7 =	sld [smem:$0x3FAC]  }
0x2d: {  	s3 =	simm.s32 $0x108;
	s8 =	sld [smem:$0x3FAD]  }
0x2e: {  	s3 =	simm.s32 @!p0 $0x1082;
	s9 =	sld [smem:$0x3FAE]  }
0x2f: {  	lr =	sadd.s32 s0, s3;
	s0 =	sld [smem:$0x3FA5]  }
0x30: {  	s3 =	sld [smem:$0x3FA8]  }
0x31: {  	[smem:$0x3FB1] =	sst s10  }
0x32: {  	s10 =	sld [smem:$0x3FAF];
	_ =	sdelay $0x3  }
0x33: {  	p0 =	seq.s32 s10, $0x1;
	s10 =	sld [smem:$0x3FB1];
	_ =	sdelay $0x3  }
0x34: {  	[smem:$0x3FB1] =	sst s10  }
0x35: {  	s10 =	sld [smem:$0x3FB0];
	_ =	sdelay $0x3  }
0x36: {  	p1 =	seq.s32 s10, $0x1;
	s10 =	sld [smem:$0x3FB1];
	_ =	sdelay $0x3  }
0x37: {  	[smem:$0x3FB1] =	sst s10  }
0x38: {  	s10 =	sld [smem:$0x3FB2]  }
0x39: {  	_ = 	snop;
	(pc) =	sbr.ind lr, $3  }
0x3a: {  	_ = 	snop  }
0x3b: {  	_ = 	snop  }
0x3c: {  	p2 =	seq.s32 s10, $0x1;
	s10 =	sld [smem:$0x3FB1]  }
0x3d: {  	_ =	shalt  }
0x3e: {  	_ =	shalt  }
0x3f: {  	_ =	shalt  }
0x40: {  	_ =	shalt  }
0x41: {  	_ =	shalt  }
0x42: {  	_ =	shalt  }
0x43: {  	_ =	shalt  }
0x44: {  	_ =	shalt  }
0x45: {  	_ =	shalt  }
0x46: {  	_ =	shalt  }
0x47: {  	_ =	shalt  }
0x48: {  	_ =	shalt  }
0x49: {  	_ =	shalt  }
0x4a: {  	_ =	shalt  }
0x4b: {  	_ =	shalt  }
0x4c: {  	_ =	shalt  }
0x4d: {  	_ =	shalt  }
0x4e: {  	_ =	shalt  }
0x4f: {  	_ =	shalt  }
0x50: {  	_ =	shalt  }
0x51: {  	_ =	shalt  }
0x52: {  	_ =	shalt  }
0x53: {  	_ =	shalt  }
0x54: {  	_ =	shalt  }
0x55: {  	_ =	shalt  }
0x56: {  	_ =	shalt  }
0x57: {  	_ =	shalt  }
0x58: {  	_ =	shalt  }
0x59: {  	_ =	shalt  }
0x5a: {  	_ =	shalt  }
0x5b: {  	_ =	shalt  }
0x5c: {  	_ =	shalt  }
0x5d: {  	_ =	shalt  }
0x5e: {  	_ =	shalt  }
0x5f: {  	_ =	shalt  }
0x60: {  	_ =	shalt  }
0x61: {  	_ =	shalt  }
0x62: {  	_ =	shalt  }
0x63: {  	_ =	shalt  }
0x64: {  	_ =	shalt  }
0x65: {  	_ =	shalt  }
0x66: {  	_ =	shalt  }
0x67: {  	_ =	shalt  }
0x68: {  	_ =	shalt  }
0x69: {  	_ =	shalt  }
0x6a: {  	_ =	shalt  }
0x6b: {  	_ =	shalt  }
0x6c: {  	_ =	shalt  }
0x6d: {  	_ =	shalt  }
0x6e: {  	_ =	shalt  }
0x6f: {  	_ =	shalt  }
0x70: {  	_ =	shalt  }
0x71: {  	_ =	shalt  }
0x72: {  	_ =	shalt  }
0x73: {  	_ =	shalt  }
0x74: {  	_ =	shalt  }
0x75: {  	_ =	shalt  }
0x76: {  	_ =	shalt  }
0x77: {  	_ =	shalt  }
0x78: {  	_ =	shalt  }
0x79: {  	_ =	shalt  }
0x7a: {  	_ =	shalt  }
0x7b: {  	_ =	shalt  }
0x7c: {  	_ =	shalt  }
0x7d: {  	_ =	shalt  }
0x7e: {  	_ =	shalt  }
0x7f: {  	_ =	shalt  }
0x80: {  	_ =	shalt  }
0x81: {  	_ =	shalt  }
0x82: {  	_ =	shalt  }
0x83: {  	_ =	shalt  }
0x84: {  	_ =	shalt  }
0x85: {  	_ =	shalt  }
0x86: {  	_ =	shalt  }
0x87: {  	_ =	shalt  }
.Lfunc_end0:
.L_simem_size_0:
called_computation.1_lowered:
.L_overlay_start_0:
0x88: {  	s2 =	sld [smem:$0x3FD9]  }
0x89: {  	s3 =	sld [smem:$0x3FFE];
	_ =	sdelay $0x1  }
0x8a: {  	s1 =	srdreg.scid  }
0x8b: {  	s0 =	sand.u32 $0x1, s1  }
0x8c: {  	s17 =	sshll.u32 s0, $0xA;
	s2 =	sadd.s32 s3, s2  }
0x8d: {  	s2 =	sadd.s32 s2, s17  }
0x8e: {  	[smem:$0x3FBD] =	sst s2  }
0x8f: {  	_ = 	snop  }
0x90: {  	s2 =	sld [smem:$0x3FD0];
	(tm) =	ssettm $0x1  }
0x91: {  	s18 =	sld [smem:$0x3FFB];
	_ =	sdelay $0x3  }
0x92: {  	_ =	strace s18  }
0x93: {  	s3 =	sld [smem:$0x3FFC];
	_ =	sdelay $0x3  }
0x94: {  	_ =	strace s3  }
0x95: {  	s3 =	sld [smem:$0x3FFD];
	_ =	sdelay $0x3  }
0x96: {  	_ =	strace s3  }
0x97: {  	_ =	strace $0x8FFFFFFF  }
0x98: {  	s19 =	sld [smem:$0x3FDB];
	_ =	sdelay $0x1  }
0x99: {  	s4 =	simm.s32 $_scs_section_size  }
0x9a: {  	s5 =	simm.s32 $_size__tile_overlayer_lowered;
	s6 =	simm.s32 $_tile_overlayer_lowered  }
0x9b: {  	s22 =	simm.s32 $0x1BFF;
	s21 =	sshll.u32 s6, $0x1;
	s3 =	sadd.s32 s4, s19  }
0x9c: {  	s7 =	simm.s32 $0x0;
	s20 =	sshll.u32 s5, $0x1;
	s5 =	sadd.s32 s21, s3  }
0x9d: {  	[timem:s7], [sflag:s22] =	dma.local [hbm:s5], s20  }
0x9e: {  	_ =	swait.ge [sflag:s22], s20  }
0x9f: {  	s4 =	ssub.s32 $0x0, s20;
	[sflag:s22] =	ssyncset.done $0x0  }
0xa0: {  	[sflag:s22] =	ssyncadd.s32 s4;
	_ =	sdelay $0x1  }
0xa1: {  	s23 =	simm.s32 $0x1B8B  }
0xa2: {  	_ =	swait.ge [sflag:s23], $0x1  }
0xa3: {  	[sflag:s23] =	ssyncset.done $0x0  }
0xa4: {  	s25 =	simm.s32 $0x1B8E;
	s24 =	sld [smem:$0x3FFE];
	[sflag:s23] =	ssyncadd.s32 $0xFFFFFFFF  }
0xa5: {  	s26 =	simm.s32 $execute0_lowered;
	[smem:$0x3FD2] =	sst s25  }
0xa6: {  	s5 =	sshll.u32 s26, $0x1;
	_ =	strace $0x80000049;
	[dreg:$0x1] =	wrdreg $0xFFFFFFFF  }
0xa7: {  	s28 =	simm.s32 $_size_execute0_lowered;
	s3 =	sadd.s32 s3, s5;
	[dreg:$0x0] =	wrdreg $0x0  }
0xa8: {  	s5 =	sshll.u32 s28, $0x1;
	[dreg:$0x2] =	wrdreg s3  }
0xa9: {  	[dreg:$0x3] =	wrdreg s5  }
0xaa: {  	[dreg:$0x4] =	wrdreg $0xC0  }
0xab: {  	_ =	task [dreg:s7], $0x5FFFF  }
0xac: {  	[dreg:$0x1] =	wrdreg $0xFFFFFFFF  }
0xad: {  	[dreg:$0x0] =	wrdreg $0x60  }
0xae: {  	[dreg:$0x2] =	wrdreg s24  }
0xaf: {  	[dreg:$0x3] =	wrdreg s2  }
0xb0: {  	[dreg:$0x4] =	wrdreg $0x90000  }
0xb1: {  	[dreg:$0x5] =	wrdreg $0x9  }
0xb2: {  	_ =	task.clear_ibuf [dreg:s7], $0x6FFFF;
	_ =	strace $0x90000049  }
0xb3: {  	s29 =	simm.s32 $0x9;
	_ =	strace $0x8000004B  }
0xb4: {  	_ =	swait.ge [sflag:s29], $0x1  }
0xb5: {  	[sflag:s29] =	ssyncadd.s32 $0xFFFFFFFF  }
0xb6: {  	_ =	strace $0x9000004B  }
0xb7: {  	_ =	sfence  }
0xb8: {  	s30 =	sld [smem:$0x0];
	_ =	sdelay $0x2  }
0xb9: {  	s31 =	sshll.u32 s1, $0xD;
	s1 =	sshrl.u32 s1, $0x2  }
0xba: {  	s3 =	sand.u32 $0x4000, s31;
	s1 =	sadd.s32 s1, s30  }
0xbb: {  	s0 =	sor.u32 s3, s0;
	s1 =	sshll.u32 s1, $0x11  }
0xbc: {  	s0 =	sor.u32 s1, s0  }
0xbd: {  	s0 =	sadd.s32 $0x8F2B, s0  }
0xbe: {  	[sflag:s0] =	ssyncadd.remote.s32 $0x1  }
0xbf: {  	_ =	sfence.sel $0xFFFF  }
0xc0: {  	[dreg:$0x0] =	wrdreg $0xFFFFFFFF;
	(pc) =	sbr.abs _section_cstart, $3  }
0xc1: {  	[dreg:$0x1] =	wrdreg $0xFFFFFFFF  }
0xc2: {  	_ =	task.clear_ibuf [dreg:s7], $0x2FFFF;
	_ =	strace $0x9FFFFFFF  }
0xc3: {  	(tm) =	ssettm $0x7FFFFFFF  }
tec
execute0_lowered:
.L_overlay_start_1:
0x0: {  	(tag) =	ssettag $0x1  }
0x1: {  	s6 =	rddreg [dreg:$0x0]  }
0x2: {  	s2 =	rddreg [dreg:$0x1]  }
0x3: {  	s3 =	rddreg [dreg:$0x2]  }
0x4: {  	s0 =	rddreg [dreg:$0x3]  }
0x5: {  	s5 =	srdreg.scid;
	s1 =	stileid.u32  }
0x6: {  	s4 =	simm.s32 $0x0;
	s17 =	simm.s32 $0x2800;
	s18 =	simm.s32 $0x80  }
0x7: {  	s19 =	simm.s32 $0x5000;
	s20 =	simm.s32 $0x1;
	s8 =	smul.u32 $0x2800, s1  }
0x8: {  	s21 =	simm.s32 $0x0;
	s7 =	sand.u32 $0x1, s5;
	s10 =	smul.u32 $0x13C00, s1  }
0x9: {  	[smem:$0x7FF] =	sst s4;
	s5 =	sadd.s32 $0x34600, s6;
	s28 =	smul.u32 $0x4F000, s1  }
0xa: {  	s31 =	sshll.u32 s1, $0x6;
	s9 =	smul.u32 $0x28000, s7;
	_ =	strace $0x8000004A  }
0xb: {  	s11 =	smul.u32 $0x13C000, s7;
	s7 =	ssub.s32 $0x2, s7;
	s25 =	sshrl.u32 s10, $0x3  }
0xc: {  	s29 =	sshrl.u32 s7, $0x1;
	s30 =	sshrl.u32 s28, $0x2;
	s9 =	sadd.s32 s8, s9  }
0xd: {  	s8 =	sshrl.u32 s8, $0x3;
	s26 =	sadd.s32 s10, s11;
	s15 =	ssub.s32 s7, s29  }
0xe: {  	s16 =	sadd.s32 s30, s3;
	s9 =	sshrl.u32 s9, $0x3;
	s13 =	sadd.s32 s8, s6  }
0xf: {  	s8 =	sadd.s32 s25, s6;
	s12 =	sadd.s32 s9, s6;
	s9 =	sshrl.u32 s26, $0x3  }
0x10: {  	s7 =	sor.u32 $0x1C02, s31;
	s14 =	sadd.s32 s9, s6;
	s6 =	sadd.s32 $0xCE00, s8  }
0x11: {  	s8 =	sadd.s32 $0x97600, s12;
	s9 =	sadd.s32 $0x83600, s13;
	s11 =	sadd.s32 $0x8D600, s12  }
0x12: {  	s12 =	sadd.s32 $0x88600, s13;
	s10 =	sadd.s32 $0xAB600, s14;
	s13 =	sadd.s32 $0xFA600, s14  }
0x13: {  	s14 =	smax.u32 s15, $0x1;
	s15 =	sshrl.u32 s16, $0x3;
	s16 =	simm.s32 $0x2  }
.LBB2_1:
0x14: {  	[spmem:s15], [sflag:s7] =	dma.local [hbm:s6], $0x2780  }
0x15: {  	_ =	swait.ge [sflag:s16], $0x2780  }
0x16: {  	[sflag:s16] =	ssyncset.done $0x0  }
0x17: {  	[sflag:s16] =	ssyncadd.s32 $0xFFFFD880  }
0x18: {  	[bflag:$0x0] =	sbarrier.arrive $0xFFFF  }
0x19: {  	[tilespmem:s4], [sflag:$0x2] =	stream.linear.gather [hbm4b:s8+s4], $0x2780, $0x38;
	[tilespmem:$0x1CC00] =	vst v63  }
0x1a: {  	_ =	swait.ge [sflag:s16], $0x2780  }
0x1b: {  	[sflag:s16] =	ssyncset.done $0x0  }
0x1c: {  	[sflag:s16] =	ssyncadd.s32 $0xFFFFD880  }
0x1d: {  	[tilespmem:s17], [sflag:$0x2] =	stream.linear.gather [hbm4b:s9+s4], $0x2780, $0x38;
	[tilespmem:$0x1CC00] =	vst v63  }
0x1e: {  	_ =	swait.ge [sflag:s16], $0x2780  }
0x1f: {  	[sflag:s16] =	ssyncset.done $0x0  }
0x20: {  	s22 =	simm.s32 $0x0;
	[sflag:s16] =	ssyncadd.s32 $0xFFFFD880  }
0x21: {  	[tilespmem:s19], [sflag:$0x1] =	stream.indirect.gather [hbm4b:s5+s18], $0x80, s22, s18, $0xb8;
	[tilespmem:$0x1CC00] =	vst v63  }
0x22: {  	_ =	swait.ge [sflag:s20], $0x4000  }
0x23: {  	[sflag:s20] =	ssyncset.done $0x0  }
0x24: {  	s31 =	simm.s32 $0x2800;
	[sflag:s20] =	ssyncadd.s32 $0xFFFFC000  }
0x25: {  	[spmem:s3] =	stream.indirect.scatter.add.f32 [tilespmem:s19], [sflag:$0x2], $0x80, s31, s18, $0xb8;
	[tilespmem:$0x1CC00] =	vst v63  }
0x26: {  	_ =	swait.ge [sflag:s16], $0x4000  }
0x27: {  	s23 =	simm.s32 $0x400;
	s22 =	simm.s32 $0x200;
	[sflag:s16] =	ssyncset.done $0x0  }
.LBB2_2:
0x28: {  	s24 =	sshra.s32 s22, $0x2  }
0x29: {  	[sflag:s16] =	ssyncadd.s32 $0xFFFFC000;
	s22 =	smov.u32 s23;
	s25 =	sadd.s32 $0x200, s23  }
0x2a: {  	[tilespmem:s19], [sflag:$0x1] =	stream.indirect.gather [hbm4b:s5+s18], $0x80, s24, s18, $0xb8;
	[tilespmem:$0x1CC00] =	vst v63  }
0x2b: {  	p0 =	sne.s32 s23, $0x9C00;
	_ =	swait.ge [sflag:s20], $0x4000  }
.Ltmp0:
0x2c: {  	[sflag:s20] =	ssyncset.done $0x0;
	(pc) =	sbr.rel @p0 .LBB2_2-.Ltmp0, $4  }
0x2d: {  	s23 =	sadd.s32 $0x2800, s24;
	[sflag:s20] =	ssyncadd.s32 $0xFFFFC000  }
0x2e: {  	[spmem:s3] =	stream.indirect.scatter.add.f32 [tilespmem:s19], [sflag:$0x2], $0x80, s23, s18, $0xb8;
	[tilespmem:$0x1CC00] =	vst v63  }
0x2f: {  	_ =	swait.ge [sflag:s16], $0x4000  }
0x30: {  	s23 =	smov.u32 s25;
	[sflag:s16] =	ssyncset.done $0x0  }
0x31: {  	s22 =	sshra.s32 s22, $0x2;
	[sflag:s16] =	ssyncadd.s32 $0xFFFFC000  }
0x32: {  	[tilespmem:s19], [sflag:$0x1] =	stream.indirect.gather [hbm4b:s5+s18], $0x80, s22, s18, $0xb8;
	[tilespmem:$0x1CC00] =	vst v63  }
0x33: {  	_ =	swait.ge [sflag:s20], $0x4000  }
0x34: {  	[sflag:s20] =	ssyncset.done $0x0  }
0x35: {  	s22 =	sadd.s32 $0x2800, s22;
	[sflag:s20] =	ssyncadd.s32 $0xFFFFC000  }
0x36: {  	[spmem:s3] =	stream.indirect.scatter.add.f32 [tilespmem:s19], [sflag:$0x2], $0x80, s22, s18, $0xb8;
	[tilespmem:$0x1CC00] =	vst v63  }
0x37: {  	_ =	swait.ge [sflag:s16], $0x4000  }
0x38: {  	[sflag:s16] =	ssyncset.done $0x0  }
0x39: {  	[sflag:s16] =	ssyncadd.s32 $0xFFFFC000  }
0x3a: {  	[bflag:$0x0] =	sbarrier.arrive $0xFFFF  }
0x3b: {  	[hbm:s10], [sflag:s7] =	dma.local [spmem:s15], $0x2780  }
0x3c: {  	_ =	swait.ge [sflag:s16], $0x2780  }
0x3d: {  	[sflag:s16] =	ssyncset.done $0x0  }
0x3e: {  	[sflag:s16] =	ssyncadd.s32 $0xFFFFD880  }
0x3f: {  	[bflag:$0x0] =	sbarrier.arrive $0xFFFF  }
0x40: {  	[spmem:s15], [sflag:s7] =	dma.local [hbm:s6], $0x2780  }
0x41: {  	_ =	swait.ge [sflag:s16], $0x2780  }
0x42: {  	[sflag:s16] =	ssyncset.done $0x0  }
0x43: {  	[sflag:s16] =	ssyncadd.s32 $0xFFFFD880  }
0x44: {  	s29 =	simm.s32 $0x0;
	[bflag:$0x0] =	sbarrier.arrive $0xFFFF  }
0x45: {  	[tilespmem:s29], [sflag:$0x2] =	stream.linear.gather [hbm4b:s11+s29], $0x2780, $0x38;
	[tilespmem:$0x1CC00] =	vst v63  }
0x46: {  	_ =	swait.ge [sflag:s16], $0x2780  }
0x47: {  	[sflag:s16] =	ssyncset.done $0x0  }
0x48: {  	[sflag:s16] =	ssyncadd.s32 $0xFFFFD880  }
0x49: {  	[tilespmem:s17], [sflag:$0x2] =	stream.linear.gather [hbm4b:s12+s29], $0x2780, $0x38;
	[tilespmem:$0x1CC00] =	vst v63  }
0x4a: {  	_ =	swait.ge [sflag:s16], $0x2780  }
0x4b: {  	[sflag:s16] =	ssyncset.done $0x0  }
0x4c: {  	s30 =	simm.s32 $0x0;
	[sflag:s16] =	ssyncadd.s32 $0xFFFFD880  }
0x4d: {  	[tilespmem:s19], [sflag:$0x1] =	stream.indirect.gather [hbm4b:s2+s18], $0x80, s30, s18, $0xb8;
	[tilespmem:$0x1CC00] =	vst v63  }
0x4e: {  	_ =	swait.ge [sflag:s20], $0x4000  }
0x4f: {  	[sflag:s20] =	ssyncset.done $0x0  }
0x50: {  	s31 =	simm.s32 $0x2800;
	[sflag:s20] =	ssyncadd.s32 $0xFFFFC000  }
0x51: {  	[spmem:s3] =	stream.indirect.scatter.add.f32 [tilespmem:s19], [sflag:$0x2], $0x80, s31, s18, $0xb8;
	[tilespmem:$0x1CC00] =	vst v63  }
0x52: {  	_ =	swait.ge [sflag:s16], $0x4000  }
0x53: {  	s23 =	simm.s32 $0x400;
	s22 =	simm.s32 $0x200;
	[sflag:s16] =	ssyncset.done $0x0  }
.LBB2_4:
0x54: {  	s24 =	sshra.s32 s22, $0x2  }
0x55: {  	[sflag:s16] =	ssyncadd.s32 $0xFFFFC000;
	s22 =	smov.u32 s23;
	s25 =	sadd.s32 $0x200, s23  }
0x56: {  	[tilespmem:s19], [sflag:$0x1] =	stream.indirect.gather [hbm4b:s2+s18], $0x80, s24, s18, $0xb8;
	[tilespmem:$0x1CC00] =	vst v63  }
0x57: {  	p0 =	sne.s32 s23, $0x9C00;
	_ =	swait.ge [sflag:s20], $0x4000  }
.Ltmp1:
0x58: {  	[sflag:s20] =	ssyncset.done $0x0;
	(pc) =	sbr.rel @p0 .LBB2_4-.Ltmp1, $4  }
0x59: {  	s23 =	sadd.s32 $0x2800, s24;
	[sflag:s20] =	ssyncadd.s32 $0xFFFFC000  }
0x5a: {  	[spmem:s3] =	stream.indirect.scatter.add.f32 [tilespmem:s19], [sflag:$0x2], $0x80, s23, s18, $0xb8;
	[tilespmem:$0x1CC00] =	vst v63  }
0x5b: {  	_ =	swait.ge [sflag:s16], $0x4000  }
0x5c: {  	s23 =	smov.u32 s25;
	[sflag:s16] =	ssyncset.done $0x0  }
0x5d: {  	s22 =	sshra.s32 s22, $0x2;
	[sflag:s16] =	ssyncadd.s32 $0xFFFFC000  }
0x5e: {  	[tilespmem:s19], [sflag:$0x1] =	stream.indirect.gather [hbm4b:s2+s18], $0x80, s22, s18, $0xb8;
	[tilespmem:$0x1CC00] =	vst v63  }
0x5f: {  	_ =	swait.ge [sflag:s20], $0x4000  }
0x60: {  	[sflag:s20] =	ssyncset.done $0x0  }
0x61: {  	s22 =	sadd.s32 $0x2800, s22;
	[sflag:s20] =	ssyncadd.s32 $0xFFFFC000  }
0x62: {  	[spmem:s3] =	stream.indirect.scatter.add.f32 [tilespmem:s19], [sflag:$0x2], $0x80, s22, s18, $0xb8;
	[tilespmem:$0x1CC00] =	vst v63  }
0x63: {  	_ =	swait.ge [sflag:s16], $0x4000  }
0x64: {  	[sflag:s16] =	ssyncset.done $0x0  }
0x65: {  	s21 =	sadd.s32 $0x1, s21;
	[sflag:s16] =	ssyncadd.s32 $0xFFFFC000  }
0x66: {  	p0 =	sne.s32 s21, s14;
	[bflag:$0x0] =	sbarrier.arrive $0xFFFF  }
0x67: {  	[hbm:s13], [sflag:s7] =	dma.local [spmem:s15], $0x2780  }
.Ltmp2:
0x68: {  	_ =	swait.ge [sflag:s16], $0x2780;
	(pc) =	sbr.rel @p0 .LBB2_1-.Ltmp2, $3  }
0x69: {  	[sflag:s16] =	ssyncset.done $0x0  }
0x6a: {  	[sflag:s16] =	ssyncadd.s32 $0xFFFFD880  }
0x6b: {  	[bflag:$0x0] =	sbarrier.arrive $0xFFFF;
	_ =	sdelay $0x1  }
0x6c: {  	_ =	sfence.sel $0x180000  }
0x6d: {  	[bflag:$0x0] =	sbarrier.arrive $0xFFFF  }
0x6e: {  	p0 =	sne.s32 s1, $0x0;
	_ =	strace $0x9000004A  }
0x6f: {  	s0 =	sadd.s32 @!p0 $0x100000, s0;
	[bflag:$0x2] =	sbarrier.arrive $0xFFFF  }
0x70: {  	[sflag:s0] =	ssyncadd.tile.s32 @!p0 $0x1;
	_ =	shalt  }
.Lfunc_end2:
_tile_overlayer_lowered:
.L_overlay_start_2:
0x71: {  	(tag) =	ssettag $0x2  }
0x72: {  	s0 =	rddreg [dreg:$0x0];
	s2 =	stileid.u32  }
0x73: {  	s1 =	rddreg [dreg:$0x1];
	p0 =	sne.s32 s2, $0x0  }
0x74: {  	s3 =	rddreg [dreg:$0x2];
	[bflag:$0x3] =	sbarrier.arrive $0xFFFF;
	s2 =	simm.s32 @!p0 $0x1C02  }
0x75: {  	[timem:s3], [sflag:s2] =	dma.local @!p0 [hbm:s0], s1  }
0x76: {  	s0 =	simm.s32 @!p0 $0x2  }
0x77: {  	_ =	swait.ge @!p0 [sflag:s0], s1  }
0x78: {  	s1 =	ssub.s32 @!p0 $0x0, s1;
	[sflag:s0] =	ssyncset.done @!p0 $0x0  }
0x79: {  	[sflag:s0] =	ssyncadd.s32 @!p0 s1  }
0x7a: {  	[bflag:$0x3] =	sbarrier.arrive $0xFFFF  }
0x7b: {  	_ =	shalt  }

// kernel: kernel.14.cloned.1.call-start
scs
__scs_entry_jumppad:
0x0: {  	(pc) =	sbr.rel $0x88, $3  }
0x1: {  	(tag) =	ssettag $0x0;
	lr =	simm.s32 $0x1  }
0x2: {  	[smem:$0x3F96] =	sst lr;
	_ =	strace $0xD0000000  }
0x3: {  	_ = 	snop  }
0x4: {  	_ = 	snop  }
0x5: {  	_ = 	snop  }
0x6: {  	_ = 	snop  }
0x7: {  	_ = 	snop  }
__scs_overlays_trampoline_lowered:
0x8: {  	[smem:$0x3FA5] =	sst s0  }
0x9: {  	[smem:$0x3FA6] =	sst s1  }
0xa: {  	[smem:$0x3FA7] =	sst s2  }
0xb: {  	[smem:$0x3FA8] =	sst s3  }
0xc: {  	[smem:$0x3FA9] =	sst s4  }
0xd: {  	[smem:$0x3FAA] =	sst s5  }
0xe: {  	[smem:$0x3FAB] =	sst s6  }
0xf: {  	[smem:$0x3FAC] =	sst s7  }
0x10: {  	[smem:$0x3FAD] =	sst s8  }
0x11: {  	[smem:$0x3FAE] =	sst s9;
	s0 =	simm.s32 @!p0 $0x0  }
0x12: {  	s1 =	sld [smem:$0x3F94];
	s0 =	simm.s32 @p0 $0x1  }
0x13: {  	[smem:$0x3FAF] =	sst s0;
	s0 =	simm.s32 @!p1 $0x0  }
0x14: {  	s2 =	sld [smem:$0x3F93];
	s0 =	simm.s32 @p1 $0x1  }
0x15: {  	[smem:$0x3FB0] =	sst s0;
	s0 =	simm.s32 @!p2 $0x0  }
0x16: {  	s3 =	sld [smem:$0x3FDB];
	s0 =	simm.s32 @p2 $0x1  }
0x17: {  	s4 =	simm.s32 $0x1BF5;
	[smem:$0x3FB2] =	sst s0  }
0x18: {  	s0 =	sld [smem:$0x3F95];
	_ =	swait.ge [sflag:s4], $0x0  }
0x19: {  	s7 =	sld [smem:$0x3F96]  }
0x1a: {  	s8 =	sadd.s32 $0xFFFFE003, lr  }
0x1b: {  	s9 =	sadd.s32 $0xFFFFFEF7, lr;
	s5 =	simm.s32 $0xFFFFFFFF;
	p2 =	slt.u32 s8, $0xFFFFF086  }
0x1c: {  	p1 =	slt.u32 s9, $0xF7A;
	s5 =	simm.s32 @!p2 $0x0  }
0x1d: {  	s5 =	simm.s32 @p1 $0x1;
	p0 =	seq.s32 s7, s2  }
0x1e: {  	s7 =	smul.u32 @!p0 $0xF7A, s2;
	p2 =	seq.s32 @!p0 s5, $0x0  }
0x1f: {  	s9 =	smul.u32 $0xF7A, s1;
	s8 =	simm.s32 @!p0 $0x1BF5;
	p2 =	por !p2, p0  }
0x20: {  	[sflag:s8] =	ssyncset.s32 @!p0 $0xFFFFF086;
	s6 =	sadd.s32 @!p0 s3, s7;
	s7 =	simm.s32 @!p0 $0x108  }
0x21: {  	s3 =	sadd.s32 s3, s9;
	s6 =	sadd.s32 @!p0 $0x88, s6;
	s7 =	simm.s32 @p2 $0x1082  }
0x22: {  	[simem:s7], [sflag:s8] =	dma.local @!p0 [hbm:s6], $0xF7A  }
0x23: {  	s9 =	sor.u32 $0xD0000000, s2;
	s6 =	simm.s32 $0x108;
	_ =	swait.ge @!p0 [sflag:s8], $0x0  }
0x24: {  	s3 =	sadd.s32 $0x88, s3;
	s6 =	simm.s32 @!p1 $0x1082;
	[sflag:s4] =	ssyncset.s32 $0xFFFFF086  }
0x25: {  	[simem:s6], [sflag:s4] =	dma.local [hbm:s3], $0xF7A  }
0x26: {  	[smem:$0x3F96] =	sst s1;
	(tag) =	ssettag s2;
	_ =	strace s9  }
0x27: {  	s1 =	sld [smem:$0x3FA6]  }
0x28: {  	s2 =	sld [smem:$0x3FA7]  }
0x29: {  	s4 =	sld [smem:$0x3FA9]  }
0x2a: {  	p0 =	seq.s32 s5, $0x0;
	s5 =	sld [smem:$0x3FAA]  }
0x2b: {  	s6 =	sld [smem:$0x3FAB]  }
0x2c: {  	s7 =	sld [smem:$0x3FAC]  }
0x2d: {  	s3 =	simm.s32 $0x108;
	s8 =	sld [smem:$0x3FAD]  }
0x2e: {  	s3 =	simm.s32 @!p0 $0x1082;
	s9 =	sld [smem:$0x3FAE]  }
0x2f: {  	lr =	sadd.s32 s0, s3;
	s0 =	sld [smem:$0x3FA5]  }
0x30: {  	s3 =	sld [smem:$0x3FA8]  }
0x31: {  	[smem:$0x3FB1] =	sst s10  }
0x32: {  	s10 =	sld [smem:$0x3FAF];
	_ =	sdelay $0x3  }
0x33: {  	p0 =	seq.s32 s10, $0x1;
	s10 =	sld [smem:$0x3FB1];
	_ =	sdelay $0x3  }
0x34: {  	[smem:$0x3FB1] =	sst s10  }
0x35: {  	s10 =	sld [smem:$0x3FB0];
	_ =	sdelay $0x3  }
0x36: {  	p1 =	seq.s32 s10, $0x1;
	s10 =	sld [smem:$0x3FB1];
	_ =	sdelay $0x3  }
0x37: {  	[smem:$0x3FB1] =	sst s10  }
0x38: {  	s10 =	sld [smem:$0x3FB2]  }
0x39: {  	_ = 	snop;
	(pc) =	sbr.ind lr, $3  }
0x3a: {  	_ = 	snop  }
0x3b: {  	_ = 	snop  }
0x3c: {  	p2 =	seq.s32 s10, $0x1;
	s10 =	sld [smem:$0x3FB1]  }
0x3d: {  	_ =	shalt  }
0x3e: {  	_ =	shalt  }
0x3f: {  	_ =	shalt  }
0x40: {  	_ =	shalt  }
0x41: {  	_ =	shalt  }
0x42: {  	_ =	shalt  }
0x43: {  	_ =	shalt  }
0x44: {  	_ =	shalt  }
0x45: {  	_ =	shalt  }
0x46: {  	_ =	shalt  }
0x47: {  	_ =	shalt  }
0x48: {  	_ =	shalt  }
0x49: {  	_ =	shalt  }
0x4a: {  	_ =	shalt  }
0x4b: {  	_ =	shalt  }
0x4c: {  	_ =	shalt  }
0x4d: {  	_ =	shalt  }
0x4e: {  	_ =	shalt  }
0x4f: {  	_ =	shalt  }
0x50: {  	_ =	shalt  }
0x51: {  	_ =	shalt  }
0x52: {  	_ =	shalt  }
0x53: {  	_ =	shalt  }
0x54: {  	_ =	shalt  }
0x55: {  	_ =	shalt  }
0x56: {  	_ =	shalt  }
0x57: {  	_ =	shalt  }
0x58: {  	_ =	shalt  }
0x59: {  	_ =	shalt  }
0x5a: {  	_ =	shalt  }
0x5b: {  	_ =	shalt  }
0x5c: {  	_ =	shalt  }
0x5d: {  	_ =	shalt  }
0x5e: {  	_ =	shalt  }
0x5f: {  	_ =	shalt  }
0x60: {  	_ =	shalt  }
0x61: {  	_ =	shalt  }
0x62: {  	_ =	shalt  }
0x63: {  	_ =	shalt  }
0x64: {  	_ =	shalt  }
0x65: {  	_ =	shalt  }
0x66: {  	_ =	shalt  }
0x67: {  	_ =	shalt  }
0x68: {  	_ =	shalt  }
0x69: {  	_ =	shalt  }
0x6a: {  	_ =	shalt  }
0x6b: {  	_ =	shalt  }
0x6c: {  	_ =	shalt  }
0x6d: {  	_ =	shalt  }
0x6e: {  	_ =	shalt  }
0x6f: {  	_ =	shalt  }
0x70: {  	_ =	shalt  }
0x71: {  	_ =	shalt  }
0x72: {  	_ =	shalt  }
0x73: {  	_ =	shalt  }
0x74: {  	_ =	shalt  }
0x75: {  	_ =	shalt  }
0x76: {  	_ =	shalt  }
0x77: {  	_ =	shalt  }
0x78: {  	_ =	shalt  }
0x79: {  	_ =	shalt  }
0x7a: {  	_ =	shalt  }
0x7b: {  	_ =	shalt  }
0x7c: {  	_ =	shalt  }
0x7d: {  	_ =	shalt  }
0x7e: {  	_ =	shalt  }
0x7f: {  	_ =	shalt  }
0x80: {  	_ =	shalt  }
0x81: {  	_ =	shalt  }
0x82: {  	_ =	shalt  }
0x83: {  	_ =	shalt  }
0x84: {  	_ =	shalt  }
0x85: {  	_ =	shalt  }
0x86: {  	_ =	shalt  }
0x87: {  	_ =	shalt  }
.Lfunc_end0:
.L_simem_size_0:
called_computation.2_lowered:
.L_overlay_start_0:
0x88: {  	s2 =	sld [smem:$0x3FD9]  }
0x89: {  	s3 =	sld [smem:$0x3FFE];
	_ =	sdelay $0x1  }
0x8a: {  	s1 =	srdreg.scid  }
0x8b: {  	s0 =	sand.u32 $0x1, s1  }
0x8c: {  	s17 =	sshll.u32 s0, $0xA;
	s2 =	sadd.s32 s3, s2  }
0x8d: {  	s2 =	sadd.s32 s2, s17  }
0x8e: {  	[smem:$0x3FBD] =	sst s2  }
0x8f: {  	_ = 	snop  }
0x90: {  	s2 =	sld [smem:$0x3FD0];
	(tm) =	ssettm $0x1  }
0x91: {  	s18 =	sld [smem:$0x3FFB];
	_ =	sdelay $0x3  }
0x92: {  	_ =	strace s18  }
0x93: {  	s3 =	sld [smem:$0x3FFC];
	_ =	sdelay $0x3  }
0x94: {  	_ =	strace s3  }
0x95: {  	s3 =	sld [smem:$0x3FFD];
	_ =	sdelay $0x3  }
0x96: {  	_ =	strace s3  }
0x97: {  	_ =	strace $0x8FFFFFFF  }
0x98: {  	s19 =	sld [smem:$0x3FDB];
	_ =	sdelay $0x1  }
0x99: {  	s4 =	simm.s32 $_scs_section_size  }
0x9a: {  	s5 =	simm.s32 $_size__tile_overlayer_lowered;
	s6 =	simm.s32 $_tile_overlayer_lowered  }
0x9b: {  	s22 =	simm.s32 $0x1BFF;
	s21 =	sshll.u32 s6, $0x1;
	s3 =	sadd.s32 s4, s19  }
0x9c: {  	s7 =	simm.s32 $0x0;
	s20 =	sshll.u32 s5, $0x1;
	s5 =	sadd.s32 s21, s3  }
0x9d: {  	[timem:s7], [sflag:s22] =	dma.local [hbm:s5], s20  }
0x9e: {  	_ =	swait.ge [sflag:s22], s20  }
0x9f: {  	s4 =	ssub.s32 $0x0, s20;
	[sflag:s22] =	ssyncset.done $0x0  }
0xa0: {  	[sflag:s22] =	ssyncadd.s32 s4;
	_ =	sdelay $0x1  }
0xa1: {  	s23 =	simm.s32 $0x1B8B  }
0xa2: {  	_ =	swait.ge [sflag:s23], $0x1  }
0xa3: {  	[sflag:s23] =	ssyncset.done $0x0  }
0xa4: {  	s25 =	simm.s32 $0x1B8E;
	s24 =	sld [smem:$0x3FFE];
	[sflag:s23] =	ssyncadd.s32 $0xFFFFFFFF  }
0xa5: {  	s26 =	simm.s32 $execute0_lowered;
	[smem:$0x3FD2] =	sst s25  }
0xa6: {  	s5 =	sshll.u32 s26, $0x1;
	_ =	strace $0x8000004C;
	[dreg:$0x1] =	wrdreg $0xFFFFFFFF  }
0xa7: {  	s28 =	simm.s32 $_size_execute0_lowered;
	s3 =	sadd.s32 s3, s5;
	[dreg:$0x0] =	wrdreg $0x0  }
0xa8: {  	s5 =	sshll.u32 s28, $0x1;
	[dreg:$0x2] =	wrdreg s3  }
0xa9: {  	[dreg:$0x3] =	wrdreg s5  }
0xaa: {  	[dreg:$0x4] =	wrdreg $0xC0  }
0xab: {  	_ =	task [dreg:s7], $0x5FFFF  }
0xac: {  	[dreg:$0x1] =	wrdreg $0xFFFFFFFF  }
0xad: {  	[dreg:$0x0] =	wrdreg $0x60  }
0xae: {  	[dreg:$0x2] =	wrdreg s2  }
0xaf: {  	[dreg:$0x3] =	wrdreg s24  }
0xb0: {  	[dreg:$0x4] =	wrdreg $0x90000  }
0xb1: {  	[dreg:$0x5] =	wrdreg $0x9  }
0xb2: {  	_ =	task.clear_ibuf [dreg:s7], $0x6FFFF;
	_ =	strace $0x9000004C  }
0xb3: {  	s29 =	simm.s32 $0x9;
	_ =	strace $0x8000004E  }
0xb4: {  	_ =	swait.ge [sflag:s29], $0x1  }
0xb5: {  	[sflag:s29] =	ssyncadd.s32 $0xFFFFFFFF  }
0xb6: {  	_ =	strace $0x9000004E  }
0xb7: {  	_ =	sfence  }
0xb8: {  	s30 =	sld [smem:$0x0];
	_ =	sdelay $0x2  }
0xb9: {  	s31 =	sshll.u32 s1, $0xD;
	s1 =	sshrl.u32 s1, $0x2  }
0xba: {  	s3 =	sand.u32 $0x4000, s31;
	s1 =	sadd.s32 s1, s30  }
0xbb: {  	s0 =	sor.u32 s3, s0;
	s1 =	sshll.u32 s1, $0x11  }
0xbc: {  	s0 =	sor.u32 s1, s0  }
0xbd: {  	s0 =	sadd.s32 $0x8F2B, s0  }
0xbe: {  	[sflag:s0] =	ssyncadd.remote.s32 $0x1  }
0xbf: {  	_ =	sfence.sel $0xFFFF  }
0xc0: {  	[dreg:$0x0] =	wrdreg $0xFFFFFFFF;
	(pc) =	sbr.abs _section_cstart, $3  }
0xc1: {  	[dreg:$0x1] =	wrdreg $0xFFFFFFFF  }
0xc2: {  	_ =	task.clear_ibuf [dreg:s7], $0x2FFFF;
	_ =	strace $0x9FFFFFFF  }
0xc3: {  	(tm) =	ssettm $0x7FFFFFFF  }
tec
execute0_lowered:
.L_overlay_start_1:
0x0: {  	(tag) =	ssettag $0x1  }
0x1: {  	s1 =	rddreg [dreg:$0x0]  }
0x2: {  	s5 =	rddreg [dreg:$0x1]  }
0x3: {  	s0 =	srdreg.scid;
	s3 =	rddreg [dreg:$0x2]  }
0x4: {  	s2 =	rddreg [dreg:$0x3];
	s6 =	sand.u32 $0x1, s0  }
0x5: {  	s4 =	simm.s32 $0x0;
	s0 =	stileid.u32;
	s7 =	smul.u32 $0x28000, s6  }
0x6: {  	s14 =	simm.s32 $0x80;
	s15 =	simm.s32 $0x5000;
	s8 =	smul.u32 $0x2800, s0  }
0x7: {  	s16 =	simm.s32 $0x1;
	[smem:$0x7FF] =	sst s4;
	s26 =	smul.u32 $0x13C00, s0  }
0x8: {  	s17 =	simm.s32 $0x0;
	s9 =	smul.u32 $0x13C000, s6;
	_ =	strace $0x8000004D  }
0x9: {  	s6 =	ssub.s32 $0x2, s6;
	s29 =	smul.u32 $0x4F000, s0;
	s31 =	sshll.u32 s0, $0x6  }
0xa: {  	s11 =	sshrl.u32 s6, $0x1;
	s7 =	sadd.s32 s8, s7;
	s28 =	sshrl.u32 s26, $0x3  }
0xb: {  	s8 =	sadd.s32 s26, s9;
	s11 =	ssub.s32 s6, s11;
	s30 =	sshrl.u32 s29, $0x2  }
0xc: {  	s6 =	sor.u32 $0x1C02, s31;
	s7 =	sshrl.u32 s7, $0x3;
	s8 =	sshrl.u32 s8, $0x3  }
0xd: {  	s13 =	sadd.s32 s30, s3;
	s10 =	sadd.s32 s7, s5;
	s7 =	sadd.s32 s28, s5  }
0xe: {  	s12 =	sadd.s32 s8, s5;
	s5 =	sadd.s32 $0xCE00, s7;
	s7 =	sadd.s32 $0xA1600, s10  }
0xf: {  	s8 =	sadd.s32 $0x2600, s10;
	s9 =	sadd.s32 $0x34600, s12;
	s10 =	smax.u32 s11, $0x1  }
0x10: {  	s11 =	sshrl.u32 s13, $0x3;
	s12 =	simm.s32 $0x2;
	s13 =	simm.s32 $0x2800  }
.LBB2_1:
0x11: {  	[spmem:s11], [sflag:s6] =	dma.local [hbm:s5], $0x2780  }
0x12: {  	_ =	swait.ge [sflag:s12], $0x2780  }
0x13: {  	[sflag:s12] =	ssyncset.done $0x0  }
0x14: {  	[sflag:s12] =	ssyncadd.s32 $0xFFFFD880  }
0x15: {  	[bflag:$0x0] =	sbarrier.arrive $0xFFFF  }
0x16: {  	[tilespmem:s4], [sflag:$0x2] =	stream.linear.gather [hbm4b:s7+s4], $0x2780, $0x38;
	[tilespmem:$0x1CC00] =	vst v63  }
0x17: {  	_ =	swait.ge [sflag:s12], $0x2780  }
0x18: {  	[sflag:s12] =	ssyncset.done $0x0  }
0x19: {  	[sflag:s12] =	ssyncadd.s32 $0xFFFFD880  }
0x1a: {  	[tilespmem:s13], [sflag:$0x2] =	stream.linear.gather [hbm4b:s8+s4], $0x2780, $0x38;
	[tilespmem:$0x1CC00] =	vst v63  }
0x1b: {  	_ =	swait.ge [sflag:s12], $0x2780  }
0x1c: {  	[sflag:s12] =	ssyncset.done $0x0  }
0x1d: {  	s18 =	simm.s32 $0x0;
	[sflag:s12] =	ssyncadd.s32 $0xFFFFD880  }
0x1e: {  	[tilespmem:s15], [sflag:$0x1] =	stream.indirect.gather [hbm4b:s1+s14], $0x80, s18, s14, $0xb8;
	[tilespmem:$0x1CC00] =	vst v63  }
0x1f: {  	_ =	swait.ge [sflag:s16], $0x4000  }
0x20: {  	[sflag:s16] =	ssyncset.done $0x0  }
0x21: {  	s31 =	simm.s32 $0x2800;
	[sflag:s16] =	ssyncadd.s32 $0xFFFFC000  }
0x22: {  	[spmem:s3] =	stream.indirect.scatter.add.f32 [tilespmem:s15], [sflag:$0x2], $0x80, s31, s14, $0xb8;
	[tilespmem:$0x1CC00] =	vst v63  }
0x23: {  	_ =	swait.ge [sflag:s12], $0x4000  }
0x24: {  	s19 =	simm.s32 $0x400;
	s18 =	simm.s32 $0x200;
	[sflag:s12] =	ssyncset.done $0x0  }
.LBB2_2:
0x25: {  	s20 =	sshra.s32 s18, $0x2  }
0x26: {  	[sflag:s12] =	ssyncadd.s32 $0xFFFFC000;
	s18 =	smov.u32 s19;
	s21 =	sadd.s32 $0x200, s19  }
0x27: {  	[tilespmem:s15], [sflag:$0x1] =	stream.indirect.gather [hbm4b:s1+s14], $0x80, s20, s14, $0xb8;
	[tilespmem:$0x1CC00] =	vst v63  }
0x28: {  	p0 =	sne.s32 s19, $0x9C00;
	_ =	swait.ge [sflag:s16], $0x4000  }
.Ltmp0:
0x29: {  	[sflag:s16] =	ssyncset.done $0x0;
	(pc) =	sbr.rel @p0 .LBB2_2-.Ltmp0, $4  }
0x2a: {  	s19 =	sadd.s32 $0x2800, s20;
	[sflag:s16] =	ssyncadd.s32 $0xFFFFC000  }
0x2b: {  	[spmem:s3] =	stream.indirect.scatter.add.f32 [tilespmem:s15], [sflag:$0x2], $0x80, s19, s14, $0xb8;
	[tilespmem:$0x1CC00] =	vst v63  }
0x2c: {  	_ =	swait.ge [sflag:s12], $0x4000  }
0x2d: {  	s19 =	smov.u32 s21;
	[sflag:s12] =	ssyncset.done $0x0  }
0x2e: {  	s18 =	sshra.s32 s18, $0x2;
	[sflag:s12] =	ssyncadd.s32 $0xFFFFC000  }
0x2f: {  	[tilespmem:s15], [sflag:$0x1] =	stream.indirect.gather [hbm4b:s1+s14], $0x80, s18, s14, $0xb8;
	[tilespmem:$0x1CC00] =	vst v63  }
0x30: {  	_ =	swait.ge [sflag:s16], $0x4000  }
0x31: {  	[sflag:s16] =	ssyncset.done $0x0  }
0x32: {  	s18 =	sadd.s32 $0x2800, s18;
	[sflag:s16] =	ssyncadd.s32 $0xFFFFC000  }
0x33: {  	[spmem:s3] =	stream.indirect.scatter.add.f32 [tilespmem:s15], [sflag:$0x2], $0x80, s18, s14, $0xb8;
	[tilespmem:$0x1CC00] =	vst v63  }
0x34: {  	_ =	swait.ge [sflag:s12], $0x4000  }
0x35: {  	s17 =	sadd.s32 $0x1, s17;
	[sflag:s12] =	ssyncset.done $0x0  }
0x36: {  	p0 =	sne.s32 s17, s10;
	[sflag:s12] =	ssyncadd.s32 $0xFFFFC000  }
.Ltmp1:
0x37: {  	[bflag:$0x0] =	sbarrier.arrive $0xFFFF;
	(pc) =	sbr.rel @p0 .LBB2_1-.Ltmp1, $4  }
0x38: {  	[hbm:s9], [sflag:s6] =	dma.local [spmem:s11], $0x2780  }
0x39: {  	_ =	swait.ge [sflag:s12], $0x2780  }
0x3a: {  	[sflag:s12] =	ssyncset.done $0x0  }
0x3b: {  	[sflag:s12] =	ssyncadd.s32 $0xFFFFD880  }
0x3c: {  	_ =	sfence.sel $0x180000  }
0x3d: {  	[bflag:$0x0] =	sbarrier.arrive $0xFFFF  }
0x3e: {  	p0 =	sne.s32 s0, $0x0;
	_ =	strace $0x9000004D  }
0x3f: {  	s0 =	sadd.s32 @!p0 $0x100000, s2;
	[bflag:$0x2] =	sbarrier.arrive $0xFFFF  }
0x40: {  	[sflag:s0] =	ssyncadd.tile.s32 @!p0 $0x1;
	_ =	shalt  }
.Lfunc_end2:
_tile_overlayer_lowered:
.L_overlay_start_2:
0x41: {  	(tag) =	ssettag $0x2  }
0x42: {  	s0 =	rddreg [dreg:$0x0];
	s2 =	stileid.u32  }
0x43: {  	s1 =	rddreg [dreg:$0x1];
	p0 =	sne.s32 s2, $0x0  }
0x44: {  	s3 =	rddreg [dreg:$0x2];
	[bflag:$0x3] =	sbarrier.arrive $0xFFFF;
	s2 =	simm.s32 @!p0 $0x1C02  }
0x45: {  	[timem:s3], [sflag:s2] =	dma.local @!p0 [hbm:s0], s1  }
0x46: {  	s0 =	simm.s32 @!p0 $0x2  }
0x47: {  	_ =	swait.ge @!p0 [sflag:s0], s1  }
0x48: {  	s1 =	ssub.s32 @!p0 $0x0, s1;
	[sflag:s0] =	ssyncset.done @!p0 $0x0  }
0x49: {  	[sflag:s0] =	ssyncadd.s32 @!p0 s1  }
0x4a: {  	[bflag:$0x3] =	sbarrier.arrive $0xFFFF  }
0x4b: {  	_ =	shalt  }

// kernel: kernel.8.cloned.1.call-start
scs
__scs_entry_jumppad:
0x0: {  	(pc) =	sbr.rel $0x88, $3  }
0x1: {  	(tag) =	ssettag $0x0;
	lr =	simm.s32 $0x1  }
0x2: {  	[smem:$0x3F96] =	sst lr;
	_ =	strace $0xD0000000  }
0x3: {  	_ = 	snop  }
0x4: {  	_ = 	snop  }
0x5: {  	_ = 	snop  }
0x6: {  	_ = 	snop  }
0x7: {  	_ = 	snop  }
__scs_overlays_trampoline_lowered:
0x8: {  	[smem:$0x3FA5] =	sst s0  }
0x9: {  	[smem:$0x3FA6] =	sst s1  }
0xa: {  	[smem:$0x3FA7] =	sst s2  }
0xb: {  	[smem:$0x3FA8] =	sst s3  }
0xc: {  	[smem:$0x3FA9] =	sst s4  }
0xd: {  	[smem:$0x3FAA] =	sst s5  }
0xe: {  	[smem:$0x3FAB] =	sst s6  }
0xf: {  	[smem:$0x3FAC] =	sst s7  }
0x10: {  	[smem:$0x3FAD] =	sst s8  }
0x11: {  	[smem:$0x3FAE] =	sst s9;
	s0 =	simm.s32 @!p0 $0x0  }
0x12: {  	s1 =	sld [smem:$0x3F94];
	s0 =	simm.s32 @p0 $0x1  }
0x13: {  	[smem:$0x3FAF] =	sst s0;
	s0 =	simm.s32 @!p1 $0x0  }
0x14: {  	s2 =	sld [smem:$0x3F93];
	s0 =	simm.s32 @p1 $0x1  }
0x15: {  	[smem:$0x3FB0] =	sst s0;
	s0 =	simm.s32 @!p2 $0x0  }
0x16: {  	s3 =	sld [smem:$0x3FDB];
	s0 =	simm.s32 @p2 $0x1  }
0x17: {  	s4 =	simm.s32 $0x1BF5;
	[smem:$0x3FB2] =	sst s0  }
0x18: {  	s0 =	sld [smem:$0x3F95];
	_ =	swait.ge [sflag:s4], $0x0  }
0x19: {  	s7 =	sld [smem:$0x3F96]  }
0x1a: {  	s8 =	sadd.s32 $0xFFFFE003, lr  }
0x1b: {  	s9 =	sadd.s32 $0xFFFFFEF7, lr;
	s5 =	simm.s32 $0xFFFFFFFF;
	p2 =	slt.u32 s8, $0xFFFFF086  }
0x1c: {  	p1 =	slt.u32 s9, $0xF7A;
	s5 =	simm.s32 @!p2 $0x0  }
0x1d: {  	s5 =	simm.s32 @p1 $0x1;
	p0 =	seq.s32 s7, s2  }
0x1e: {  	s7 =	smul.u32 @!p0 $0xF7A, s2;
	p2 =	seq.s32 @!p0 s5, $0x0  }
0x1f: {  	s9 =	smul.u32 $0xF7A, s1;
	s8 =	simm.s32 @!p0 $0x1BF5;
	p2 =	por !p2, p0  }
0x20: {  	[sflag:s8] =	ssyncset.s32 @!p0 $0xFFFFF086;
	s6 =	sadd.s32 @!p0 s3, s7;
	s7 =	simm.s32 @!p0 $0x108  }
0x21: {  	s3 =	sadd.s32 s3, s9;
	s6 =	sadd.s32 @!p0 $0x88, s6;
	s7 =	simm.s32 @p2 $0x1082  }
0x22: {  	[simem:s7], [sflag:s8] =	dma.local @!p0 [hbm:s6], $0xF7A  }
0x23: {  	s9 =	sor.u32 $0xD0000000, s2;
	s6 =	simm.s32 $0x108;
	_ =	swait.ge @!p0 [sflag:s8], $0x0  }
0x24: {  	s3 =	sadd.s32 $0x88, s3;
	s6 =	simm.s32 @!p1 $0x1082;
	[sflag:s4] =	ssyncset.s32 $0xFFFFF086  }
0x25: {  	[simem:s6], [sflag:s4] =	dma.local [hbm:s3], $0xF7A  }
0x26: {  	[smem:$0x3F96] =	sst s1;
	(tag) =	ssettag s2;
	_ =	strace s9  }
0x27: {  	s1 =	sld [smem:$0x3FA6]  }
0x28: {  	s2 =	sld [smem:$0x3FA7]  }
0x29: {  	s4 =	sld [smem:$0x3FA9]  }
0x2a: {  	p0 =	seq.s32 s5, $0x0;
	s5 =	sld [smem:$0x3FAA]  }
0x2b: {  	s6 =	sld [smem:$0x3FAB]  }
0x2c: {  	s7 =	sld [smem:$0x3FAC]  }
0x2d: {  	s3 =	simm.s32 $0x108;
	s8 =	sld [smem:$0x3FAD]  }
0x2e: {  	s3 =	simm.s32 @!p0 $0x1082;
	s9 =	sld [smem:$0x3FAE]  }
0x2f: {  	lr =	sadd.s32 s0, s3;
	s0 =	sld [smem:$0x3FA5]  }
0x30: {  	s3 =	sld [smem:$0x3FA8]  }
0x31: {  	[smem:$0x3FB1] =	sst s10  }
0x32: {  	s10 =	sld [smem:$0x3FAF];
	_ =	sdelay $0x3  }
0x33: {  	p0 =	seq.s32 s10, $0x1;
	s10 =	sld [smem:$0x3FB1];
	_ =	sdelay $0x3  }
0x34: {  	[smem:$0x3FB1] =	sst s10  }
0x35: {  	s10 =	sld [smem:$0x3FB0];
	_ =	sdelay $0x3  }
0x36: {  	p1 =	seq.s32 s10, $0x1;
	s10 =	sld [smem:$0x3FB1];
	_ =	sdelay $0x3  }
0x37: {  	[smem:$0x3FB1] =	sst s10  }
0x38: {  	s10 =	sld [smem:$0x3FB2]  }
0x39: {  	_ = 	snop;
	(pc) =	sbr.ind lr, $3  }
0x3a: {  	_ = 	snop  }
0x3b: {  	_ = 	snop  }
0x3c: {  	p2 =	seq.s32 s10, $0x1;
	s10 =	sld [smem:$0x3FB1]  }
0x3d: {  	_ =	shalt  }
0x3e: {  	_ =	shalt  }
0x3f: {  	_ =	shalt  }
0x40: {  	_ =	shalt  }
0x41: {  	_ =	shalt  }
0x42: {  	_ =	shalt  }
0x43: {  	_ =	shalt  }
0x44: {  	_ =	shalt  }
0x45: {  	_ =	shalt  }
0x46: {  	_ =	shalt  }
0x47: {  	_ =	shalt  }
0x48: {  	_ =	shalt  }
0x49: {  	_ =	shalt  }
0x4a: {  	_ =	shalt  }
0x4b: {  	_ =	shalt  }
0x4c: {  	_ =	shalt  }
0x4d: {  	_ =	shalt  }
0x4e: {  	_ =	shalt  }
0x4f: {  	_ =	shalt  }
0x50: {  	_ =	shalt  }
0x51: {  	_ =	shalt  }
0x52: {  	_ =	shalt  }
0x53: {  	_ =	shalt  }
0x54: {  	_ =	shalt  }
0x55: {  	_ =	shalt  }
0x56: {  	_ =	shalt  }
0x57: {  	_ =	shalt  }
0x58: {  	_ =	shalt  }
0x59: {  	_ =	shalt  }
0x5a: {  	_ =	shalt  }
0x5b: {  	_ =	shalt  }
0x5c: {  	_ =	shalt  }
0x5d: {  	_ =	shalt  }
0x5e: {  	_ =	shalt  }
0x5f: {  	_ =	shalt  }
0x60: {  	_ =	shalt  }
0x61: {  	_ =	shalt  }
0x62: {  	_ =	shalt  }
0x63: {  	_ =	shalt  }
0x64: {  	_ =	shalt  }
0x65: {  	_ =	shalt  }
0x66: {  	_ =	shalt  }
0x67: {  	_ =	shalt  }
0x68: {  	_ =	shalt  }
0x69: {  	_ =	shalt  }
0x6a: {  	_ =	shalt  }
0x6b: {  	_ =	shalt  }
0x6c: {  	_ =	shalt  }
0x6d: {  	_ =	shalt  }
0x6e: {  	_ =	shalt  }
0x6f: {  	_ =	shalt  }
0x70: {  	_ =	shalt  }
0x71: {  	_ =	shalt  }
0x72: {  	_ =	shalt  }
0x73: {  	_ =	shalt  }
0x74: {  	_ =	shalt  }
0x75: {  	_ =	shalt  }
0x76: {  	_ =	shalt  }
0x77: {  	_ =	shalt  }
0x78: {  	_ =	shalt  }
0x79: {  	_ =	shalt  }
0x7a: {  	_ =	shalt  }
0x7b: {  	_ =	shalt  }
0x7c: {  	_ =	shalt  }
0x7d: {  	_ =	shalt  }
0x7e: {  	_ =	shalt  }
0x7f: {  	_ =	shalt  }
0x80: {  	_ =	shalt  }
0x81: {  	_ =	shalt  }
0x82: {  	_ =	shalt  }
0x83: {  	_ =	shalt  }
0x84: {  	_ =	shalt  }
0x85: {  	_ =	shalt  }
0x86: {  	_ =	shalt  }
0x87: {  	_ =	shalt  }
.Lfunc_end0:
.L_simem_size_0:
called_computation_lowered:
.L_overlay_start_0:
0x88: {  	s2 =	sld [smem:$0x3FD9]  }
0x89: {  	s3 =	sld [smem:$0x3FFE];
	_ =	sdelay $0x1  }
0x8a: {  	s1 =	srdreg.scid  }
0x8b: {  	s0 =	sand.u32 $0x1, s1  }
0x8c: {  	s16 =	sshll.u32 s0, $0xA;
	s2 =	sadd.s32 s3, s2  }
0x8d: {  	s2 =	sadd.s32 s2, s16  }
0x8e: {  	[smem:$0x3FBD] =	sst s2  }
0x8f: {  	_ = 	snop  }
0x90: {  	(tm) =	ssettm $0x1  }
0x91: {  	s17 =	sld [smem:$0x3FFB];
	_ =	sdelay $0x3  }
0x92: {  	_ =	strace s17  }
0x93: {  	s2 =	sld [smem:$0x3FFC];
	_ =	sdelay $0x3  }
0x94: {  	_ =	strace s2  }
0x95: {  	s2 =	sld [smem:$0x3FFD];
	_ =	sdelay $0x3  }
0x96: {  	_ =	strace s2  }
0x97: {  	_ =	strace $0x8FFFFFFF  }
0x98: {  	s18 =	sld [smem:$0x3FDB];
	_ =	sdelay $0x1  }
0x99: {  	s19 =	simm.s32 $_scs_section_size  }
0x9a: {  	s4 =	simm.s32 $_size__tile_overlayer_lowered;
	s5 =	simm.s32 $_tile_overlayer_lowered  }
0x9b: {  	s22 =	simm.s32 $0x1BFF;
	s21 =	sshll.u32 s5, $0x1;
	s2 =	sadd.s32 s19, s18  }
0x9c: {  	s6 =	simm.s32 $0x0;
	s20 =	sshll.u32 s4, $0x1;
	s4 =	sadd.s32 s21, s2  }
0x9d: {  	[timem:s6], [sflag:s22] =	dma.local [hbm:s4], s20  }
0x9e: {  	_ =	swait.ge [sflag:s22], s20  }
0x9f: {  	s3 =	ssub.s32 $0x0, s20;
	[sflag:s22] =	ssyncset.done $0x0  }
0xa0: {  	[sflag:s22] =	ssyncadd.s32 s3;
	_ =	sdelay $0x1  }
0xa1: {  	s23 =	simm.s32 $0x1B8B  }
0xa2: {  	_ =	swait.ge [sflag:s23], $0x1  }
0xa3: {  	[sflag:s23] =	ssyncset.done $0x0  }
0xa4: {  	s25 =	simm.s32 $0x1B8E;
	s24 =	sld [smem:$0x3FFE];
	[sflag:s23] =	ssyncadd.s32 $0xFFFFFFFF  }
0xa5: {  	s26 =	simm.s32 $execute0_lowered;
	[smem:$0x3FD2] =	sst s25  }
0xa6: {  	s4 =	sshll.u32 s26, $0x1;
	_ =	strace $0x80000046;
	[dreg:$0x1] =	wrdreg $0xFFFFFFFF  }
0xa7: {  	s28 =	simm.s32 $_size_execute0_lowered;
	s2 =	sadd.s32 s2, s4;
	[dreg:$0x0] =	wrdreg $0x0  }
0xa8: {  	s4 =	sshll.u32 s28, $0x1;
	[dreg:$0x2] =	wrdreg s2  }
0xa9: {  	[dreg:$0x3] =	wrdreg s4  }
0xaa: {  	[dreg:$0x4] =	wrdreg $0xC0  }
0xab: {  	_ =	task [dreg:s6], $0x5FFFF  }
0xac: {  	[dreg:$0x1] =	wrdreg $0xFFFFFFFF  }
0xad: {  	[dreg:$0x0] =	wrdreg $0x60  }
0xae: {  	[dreg:$0x2] =	wrdreg s24  }
0xaf: {  	[dreg:$0x3] =	wrdreg $0x68000  }
0xb0: {  	[dreg:$0x4] =	wrdreg $0x9  }
0xb1: {  	_ =	task.clear_ibuf [dreg:s6], $0x5FFFF;
	_ =	strace $0x90000046  }
0xb2: {  	s29 =	simm.s32 $0x9;
	_ =	strace $0x80000048  }
0xb3: {  	_ =	swait.ge [sflag:s29], $0x1  }
0xb4: {  	[sflag:s29] =	ssyncadd.s32 $0xFFFFFFFF  }
0xb5: {  	_ =	strace $0x90000048  }
0xb6: {  	_ =	sfence  }
0xb7: {  	s30 =	sld [smem:$0x0];
	_ =	sdelay $0x2  }
0xb8: {  	s31 =	sshll.u32 s1, $0xD;
	s1 =	sshrl.u32 s1, $0x2  }
0xb9: {  	s3 =	sand.u32 $0x4000, s31;
	s1 =	sadd.s32 s1, s30  }
0xba: {  	s0 =	sor.u32 s3, s0;
	s1 =	sshll.u32 s1, $0x11  }
0xbb: {  	s0 =	sor.u32 s1, s0  }
0xbc: {  	s0 =	sadd.s32 $0x8F2B, s0  }
0xbd: {  	[sflag:s0] =	ssyncadd.remote.s32 $0x1  }
0xbe: {  	_ =	sfence.sel $0xFFFF  }
0xbf: {  	[dreg:$0x0] =	wrdreg $0xFFFFFFFF;
	(pc) =	sbr.abs _section_cstart, $3  }
0xc0: {  	[dreg:$0x1] =	wrdreg $0xFFFFFFFF  }
0xc1: {  	_ =	task.clear_ibuf [dreg:s6], $0x2FFFF;
	_ =	strace $0x9FFFFFFF  }
0xc2: {  	(tm) =	ssettm $0x7FFFFFFF  }
0xc3: {  	_ =	shalt  }
tec
execute0_lowered:
.L_overlay_start_1:
0x0: {  	(tag) =	ssettag $0x1  }
0x1: {  	s0 =	srdreg.scid  }
0x2: {  	s5 =	rddreg [dreg:$0x0];
	s6 =	sand.u32 $0x1, s0  }
0x3: {  	s0 =	stileid.u32;
	s4 =	smul.u32 $0x28000, s6  }
0x4: {  	s2 =	rddreg [dreg:$0x1];
	s7 =	smul.u32 $0x2800, s0  }
0x5: {  	s1 =	rddreg [dreg:$0x2];
	s28 =	smul.u32 $0x13C000, s6  }
0x6: {  	s3 =	simm.s32 $0x0;
	s13 =	simm.s32 $0x80;
	s8 =	smul.u32 $0x13C00, s0  }
0x7: {  	s14 =	simm.s32 $0x0;
	[smem:$0x7FF] =	sst s3;
	s10 =	smul.u32 $0x2780, s0  }
0x8: {  	_ =	strace $0x80000047;
	s6 =	ssub.s32 $0x2, s6;
	s29 =	smul.u32 $0x4F000, s0  }
0x9: {  	s31 =	sshll.u32 s0, $0x6;
	s11 =	sshrl.u32 s6, $0x1;
	s4 =	sadd.s32 s7, s4  }
0xa: {  	s7 =	sadd.s32 s8, s28;
	s10 =	sadd.s32 s10, s5;
	s11 =	ssub.s32 s6, s11  }
0xb: {  	s30 =	sshrl.u32 s29, $0x2;
	s4 =	sshrl.u32 s4, $0x3;
	s7 =	sshrl.u32 s7, $0x3  }
0xc: {  	s12 =	sadd.s32 s30, s2;
	s8 =	smax.u32 s11, $0x1;
	s11 =	sor.u32 $0x1C01, s31  }
0xd: {  	s9 =	sadd.s32 s4, s5;
	s4 =	sadd.s32 $0xC600, s5;
	s7 =	sadd.s32 s7, s5  }
0xe: {  	s5 =	sadd.s32 $0xCE00, s10;
	s10 =	simm.s32 $0x1;
	s12 =	sshrl.u32 s12, $0x3  }
0xf: {  	s6 =	sadd.s32 $0x2600, s9;
	s7 =	sadd.s32 $0x34600, s7;
	s9 =	simm.s32 $0x2800  }
.LBB2_1:
0x10: {  	[tilespmem:s9], [sflag:$0x1] =	stream.linear.gather [hbm4b:s4+s3], $0x4000, $0x38;
	[tilespmem:$0x1A400] =	vst v63  }
0x11: {  	_ =	swait.ge [sflag:s10], $0x4000  }
0x12: {  	[sflag:s10] =	ssyncset.done $0x0  }
0x13: {  	[sflag:s10] =	ssyncadd.s32 $0xFFFFC000  }
0x14: {  	[spmem:s12], [sflag:s11] =	dma.local [hbm:s5], $0x2780  }
0x15: {  	_ =	swait.ge [sflag:s10], $0x2780  }
0x16: {  	[sflag:s10] =	ssyncset.done $0x0  }
0x17: {  	[sflag:s10] =	ssyncadd.s32 $0xFFFFD880  }
0x18: {  	[bflag:$0x0] =	sbarrier.arrive $0xFFFF  }
0x19: {  	[tilespmem:s3], [sflag:$0x1] =	stream.linear.gather [hbm4b:s6+s3], $0x2780, $0x38;
	[tilespmem:$0x1A400] =	vst v63  }
0x1a: {  	_ =	swait.ge [sflag:s10], $0x2780  }
0x1b: {  	[sflag:s10] =	ssyncset.done $0x0  }
0x1c: {  	s15 =	simm.s32 $0x0;
	[sflag:s10] =	ssyncadd.s32 $0xFFFFD880  }
0x1d: {  	[spmem:s2] =	stream.indirect.scatter.add.f32 [tilespmem:s9], [sflag:$0x1], $0x80, s15, s13, $0xb8;
	[tilespmem:$0x1A400] =	vst v63  }
0x1e: {  	_ =	swait.ge [sflag:s10], $0x4000  }
0x1f: {  	s15 =	simm.s32 $0x200;
	[sflag:s10] =	ssyncset.done $0x0  }
.LBB2_2:
0x20: {  	s16 =	sshra.s32 s15, $0x2;
	[sflag:s10] =	ssyncadd.s32 $0xFFFFC000;
	p0 =	sne.s32 s15, $0x9C00  }
0x21: {  	[spmem:s2] =	stream.indirect.scatter.add.f32 [tilespmem:s9], [sflag:$0x1], $0x80, s16, s13, $0xb8;
	[tilespmem:$0x1A400] =	vst v63  }
.Ltmp0:
0x22: {  	_ = 	snop;
	(pc) =	sbr.rel @p0 .LBB2_2-.Ltmp0, $4  }
0x23: {  	_ = 	snop  }
0x24: {  	s15 =	sadd.s32 $0x200, s15  }
0x25: {  	_ =	swait.ge [sflag:s10], $0x4000  }
0x26: {  	[sflag:s10] =	ssyncset.done $0x0  }
0x27: {  	s14 =	sadd.s32 $0x1, s14  }
0x28: {  	[sflag:s10] =	ssyncadd.s32 $0xFFFFC000;
	p0 =	sne.s32 s14, s8  }
.Ltmp1:
0x29: {  	[bflag:$0x0] =	sbarrier.arrive $0xFFFF;
	(pc) =	sbr.rel @p0 .LBB2_1-.Ltmp1, $4  }
0x2a: {  	[hbm:s7], [sflag:s11] =	dma.local [spmem:s12], $0x2780  }
0x2b: {  	_ =	swait.ge [sflag:s10], $0x2780  }
0x2c: {  	[sflag:s10] =	ssyncset.done $0x0  }
0x2d: {  	[sflag:s10] =	ssyncadd.s32 $0xFFFFD880  }
0x2e: {  	_ =	sfence.sel $0x180000  }
0x2f: {  	[bflag:$0x0] =	sbarrier.arrive $0xFFFF  }
0x30: {  	p0 =	sne.s32 s0, $0x0;
	_ =	strace $0x90000047  }
0x31: {  	s0 =	sadd.s32 @!p0 $0x100000, s1;
	[bflag:$0x2] =	sbarrier.arrive $0xFFFF  }
0x32: {  	[sflag:s0] =	ssyncadd.tile.s32 @!p0 $0x1;
	_ =	shalt  }
.Lfunc_end2:
_tile_overlayer_lowered:
.L_overlay_start_2:
0x33: {  	(tag) =	ssettag $0x2  }
0x34: {  	s0 =	rddreg [dreg:$0x0];
	s2 =	stileid.u32  }
0x35: {  	s1 =	rddreg [dreg:$0x1];
	p0 =	sne.s32 s2, $0x0  }
0x36: {  	s3 =	rddreg [dreg:$0x2];
	[bflag:$0x3] =	sbarrier.arrive $0xFFFF;
	s2 =	simm.s32 @!p0 $0x1C01  }
0x37: {  	[timem:s3], [sflag:s2] =	dma.local @!p0 [hbm:s0], s1  }
0x38: {  	s0 =	simm.s32 @!p0 $0x1  }
0x39: {  	_ =	swait.ge @!p0 [sflag:s0], s1  }
0x3a: {  	s1 =	ssub.s32 @!p0 $0x0, s1;
	[sflag:s0] =	ssyncset.done @!p0 $0x0  }
0x3b: {  	[sflag:s0] =	ssyncadd.s32 @!p0 s1  }
0x3c: {  	[bflag:$0x3] =	sbarrier.arrive $0xFFFF  }
0x3d: {  	_ =	shalt  }

</sc_bundles>
